<compile_context>
chip_gen: v7x
topology: tpu7x:2x2x1
jax: 0.10.2.dev20260603
libtpu: 0.0.44.dev20260713+nightly
codegen_flags: <defaults>
</compile_context>

<pallas_src>
import functools

import jax
import jax.numpy as jnp
from jax import lax
from jax.experimental import pallas as pl
from jax.experimental.pallas import tpu as pltpu
from jax.experimental.pallas import tpu_sc as plsc

_K = 8


def _router_block(x_ref, w_ref, b_ref, probs_ref, cw_ref, ei_ref, stats_ref,
                  *, tb, e):
    t = pl.program_id(1)
    x = x_ref[0]
    logits = jnp.dot(x, w_ref[...], preferred_element_type=jnp.float32)
    logits = logits + b_ref[0]

    lt = logits.T
    m = jnp.max(lt, axis=0, keepdims=True)
    ex = jnp.exp(lt - m)
    s = jnp.sum(ex, axis=0, keepdims=True)
    pt = ex / s
    probs_ref[0] = pt.T

    logz = m + jnp.log(s)
    zsq = jnp.sum(logz * logz)

    siota = jax.lax.broadcasted_iota(jnp.int32, (e, tb), 0)
    p = pt
    vals, idxs = [], []
    for _ in range(_K):
        mk = jnp.max(p, axis=0, keepdims=True)
        im = jnp.min(jnp.where(p == mk, siota, e), axis=0, keepdims=True)
        vals.append(mk)
        idxs.append(im)
        p = jnp.where(siota == im, -jnp.inf, p)
    cwt = jnp.concatenate(vals, axis=0)
    eit = jnp.concatenate(idxs, axis=0)
    cw_ref[0] = cwt
    ei_ref[0] = eit

    kiota = jax.lax.broadcasted_iota(jnp.int32, (_K, tb, e), 2)
    oneh = (eit[:, :, None] == kiota).astype(jnp.float32)
    hist = jnp.sum(oneh, axis=1)
    counts = jnp.sum(hist, axis=0)
    psum = jnp.sum(pt, axis=1)
    l1 = jax.lax.broadcasted_iota(jnp.int32, (1, e), 1)
    zrow = jnp.where(l1 == 0, zsq, 0.0)
    upd = jnp.concatenate(
        [counts[None, :], psum[None, :], zrow, hist,
         jnp.zeros((16 - 3 - _K, e), jnp.float32)], axis=0)

    @pl.when(t == 0)
    def _():
        stats_ref[0] = upd

    @pl.when(t != 0)
    def _():
        stats_ref[0] = stats_ref[0] + upd


def _router_topk(token_inputs, w, b):
    g, t, d = token_inputs.shape
    e = w.shape[-1]
    tb = 1024 if t % 1024 == 0 else t
    nblk = t // tb
    grid = (g, nblk)
    return pl.pallas_call(
        functools.partial(_router_block, tb=tb, e=e),
        grid=grid,
        in_specs=[
            pl.BlockSpec((1, tb, d), lambda i, j: (i, j, 0)),
            pl.BlockSpec((d, e), lambda i, j: (0, 0)),
            pl.BlockSpec((1, e), lambda i, j: (0, 0)),
        ],
        out_specs=[
            pl.BlockSpec((1, tb, e), lambda i, j: (i, j, 0)),
            pl.BlockSpec((1, _K, tb), lambda i, j: (i, 0, j)),
            pl.BlockSpec((1, _K, tb), lambda i, j: (i, 0, j)),
            pl.BlockSpec((1, 16, e), lambda i, j: (i, 0, 0)),
        ],
        out_shape=[
            jax.ShapeDtypeStruct((g, t, e), jnp.float32),
            jax.ShapeDtypeStruct((g, _K, t), jnp.float32),
            jax.ShapeDtypeStruct((g, _K, t), jnp.int32),
            jax.ShapeDtypeStruct((g, 16, e), jnp.float32),
        ],
    )(token_inputs, w, b.reshape(1, e))


def _rank_block(w1_ref, rank_ref, racc_ref, acc2_ref, *, ib, nb):
    b = pl.program_id(1)

    @pl.when(b == 0)
    def _():
        racc_ref[...] = jnp.zeros_like(racc_ref)

    wb = w1_ref[0, 0, pl.ds(b * ib, ib)].reshape(ib, 1)
    wd = wb.reshape(1, ib)
    ii = jax.lax.broadcasted_iota(jnp.int32, (ib, ib), 0)
    jj = jax.lax.broadcasted_iota(jnp.int32, (ib, ib), 1)
    acc2_ref[...] = ((wd > wb) | ((wd == wb) & (jj < ii))).astype(jnp.float32)
    for c in range(1, nb):
        @pl.when(c > b)
        def _(c=c):
            wc = w1_ref[0, 0, pl.ds(c * ib, ib)].reshape(1, ib)
            a = (wc > wb).astype(jnp.float32)
            racc_ref[0, pl.ds(c * ib, ib)] = (
                racc_ref[0, pl.ds(c * ib, ib)]
                + (ib - jnp.sum(a, axis=0)))
            acc2_ref[...] = acc2_ref[...] + a
    racc_ref[0, pl.ds(b * ib, ib)] = (
        racc_ref[0, pl.ds(b * ib, ib)] + jnp.sum(acc2_ref[...], axis=1))

    @pl.when(b == nb - 1)
    def _():
        rank_ref[0, 0, :] = racc_ref[0, :].astype(jnp.int32)


def _token_rank(w1):
    g, t = w1.shape
    ib = 512
    nb = t // ib
    out = pl.pallas_call(
        functools.partial(_rank_block, ib=ib, nb=nb),
        grid=(g, nb),
        in_specs=[pl.BlockSpec((1, 1, t), lambda i, j: (i, 0, 0))],
        out_specs=pl.BlockSpec((1, 1, t), lambda i, j: (i, 0, 0)),
        out_shape=jax.ShapeDtypeStruct((g, 1, t), jnp.int32),
        scratch_shapes=[pltpu.VMEM((1, t), jnp.float32),
                        pltpu.VMEM((ib, ib), jnp.float32)],
    )(w1.reshape(g, 1, t))
    return out.reshape(g, t)


def _sc_priority(rank, eit, prefix):
    g, k, t = eit.shape
    e = prefix.shape[-1]
    mesh = plsc.VectorSubcoreMesh(
        core_axis_name="c", subcore_axis_name="s", num_cores=2)

    @functools.partial(
        pl.kernel, mesh=mesh,
        compiler_params=pltpu.CompilerParams(needs_layout_passes=False),
        out_type=jax.ShapeDtypeStruct((g, k, t), jnp.int32),
        scratch_types=[
            pltpu.VMEM((t,), jnp.int32),
            pltpu.VMEM((t,), jnp.int32),
            pltpu.VMEM((t,), jnp.int32),
            pltpu.VMEM((t,), jnp.int32),
            pltpu.VMEM((t,), jnp.int32),
            pltpu.VMEM((e,), jnp.int32),
        ],
    )
    def f(rank_hbm, eit_hbm, prefix_hbm, out_hbm,
          rank_v, e_v, sorted_v, prio_v, out_v, counter_v):
        wid = lax.axis_index("s") * 2 + lax.axis_index("c")

        @pl.when(wid < g * k)
        def _():
            gi = wid // k
            si = lax.rem(wid, k)
            pltpu.sync_copy(rank_hbm.at[gi], rank_v)
            pltpu.sync_copy(eit_hbm.at[gi, si], e_v)
            pltpu.sync_copy(prefix_hbm.at[gi, si], counter_v)

            def scatter_body(c, _):
                idx = rank_v[pl.ds(c * 16, 16)]
                val = e_v[pl.ds(c * 16, 16)]
                plsc.store_scatter(sorted_v, [idx], val)
                return _
            lax.fori_loop(0, t // 16, scatter_body, None, unroll=4)

            lanes = lax.iota(jnp.int32, 16)
            occ0 = plsc.scan_count(lanes)[0]

            def scan_body(c, _):
                ev16 = sorted_v[pl.ds(c * 16, 16)]
                occ_raw, last = plsc.scan_count(ev16)
                occ = occ_raw - occ0
                base = plsc.load_gather(counter_v, [ev16])
                prio_v[pl.ds(c * 16, 16)] = base + occ
                plsc.store_scatter(counter_v, [ev16], base + occ + 1, mask=last)
                return _
            lax.fori_loop(0, t // 16, scan_body, None, unroll=4)

            def gather_body(c, _):
                idx = rank_v[pl.ds(c * 16, 16)]
                out_v[pl.ds(c * 16, 16)] = plsc.load_gather(prio_v, [idx])
                return _
            lax.fori_loop(0, t // 16, gather_body, None, unroll=4)

            pltpu.sync_copy(out_v, out_hbm.at[gi, si])

    return f(rank, eit, prefix)


def kernel(token_inputs, w, b, num_experts, expert_capacity):
    g, t, d = token_inputs.shape
    e = w.shape[-1]

    probs, cw_t, ei_t, stats = _router_topk(token_inputs, w, b)

    counts = stats[:, 0, :]
    psum = stats[:, 1, :]
    zsum = jnp.sum(stats[:, 2, 0])
    aux_loss = jnp.mean((counts / t) * (psum / t)) * jnp.asarray(
        num_experts, jnp.float32) ** 2
    z_loss = zsum / (g * t)

    rank = _token_rank(cw_t[:, 0, :])

    hist = stats[:, 3:3 + _K, :]
    prefix = (jnp.cumsum(hist, axis=1) - hist).astype(jnp.int32)

    prio_t = _sc_priority(rank, ei_t, prefix)

    cwm_t = cw_t * (prio_t < expert_capacity).astype(cw_t.dtype)
    combine_weights = jnp.swapaxes(cwm_t, 1, 2)
    dispatch_indices = jnp.swapaxes(
        jnp.stack([ei_t, prio_t], axis=-1), 1, 2).astype(jnp.int32)
    return dispatch_indices, combine_weights, aux_loss, probs, z_loss

# --- scband reference (transcript-rebuilt; emitter-appended) ---
"""Pipeline reference for scband-tokens-choose-scatter-router-22428319220048 (READ-ONLY COPY).

The authoritative reference and input builder live on the scoring server;
editing this copy changes nothing except your own understanding.
"""

import jax, jax.numpy as jnp
import numpy as np

NUM_GROUPS, TOKENS, D_MODEL = 2, 8192, 2048
NUM_EXPERTS = 64
NUM_SELECTED = 8
EXPERT_CAPACITY = 1280
BATCH_PRIORITIZED = True


def setup_inputs(seed: int = 0) -> dict:
    key = jax.random.key(seed)
    k1, k2, _ = jax.random.split(key, 3)
    token_inputs = jax.random.normal(k1, (NUM_GROUPS, TOKENS, D_MODEL), dtype=jnp.float32)
    w = jax.random.normal(k2, (D_MODEL, NUM_EXPERTS), dtype=jnp.float32) * 0.02
    b = jnp.zeros((NUM_EXPERTS,), dtype=jnp.float32)
    return {"token_inputs": token_inputs, "w": w, "b": b,
            "num_experts": NUM_EXPERTS, "expert_capacity": EXPERT_CAPACITY}


def _router_z_loss(router_logits):
    num_groups, tokens_per_group, _ = router_logits.shape
    log_z = jax.nn.logsumexp(router_logits, axis=-1)
    z_loss = log_z ** 2
    return jnp.sum(z_loss, dtype=jnp.float32) / (num_groups * tokens_per_group)


def _load_balancing_loss(router_probs, expert_indices, num_experts):
    num_classes = router_probs.shape[-1]
    expert_mask = jax.nn.one_hot(expert_indices, num_classes, dtype=jnp.int32)
    expert_mask = jnp.max(expert_mask, axis=-2)
    tokens_per_group_and_expert = jnp.mean(expert_mask, dtype=jnp.float32, axis=-2)
    router_prob_per_group_and_expert = jnp.mean(router_probs, dtype=jnp.float32, axis=-2)
    return jnp.mean(tokens_per_group_and_expert * router_prob_per_group_and_expert,
                    dtype=jnp.float32) * jnp.asarray(num_experts, dtype=jnp.float32) ** 2


def reference(token_inputs, w, b, num_experts, expert_capacity):
    # RouterWeights: dense projection to num_experts logits (jitter disabled).
    router_logits = jnp.einsum('gtd,de->gte', token_inputs, w,
                               precision=jax.lax.Precision.DEFAULT) + b
    router_probs = jax.nn.softmax(router_logits.astype(jnp.float32), axis=-1)
    num_groups, tokens_per_group, _ = router_probs.shape
    num_experts_static = w.shape[-1]

    # Tokens choose top-k experts (non-TPU fallback path: jax.lax.top_k).
    combine_weights, expert_indices = jax.lax.top_k(router_probs, NUM_SELECTED)
    auxiliary_loss = _load_balancing_loss(router_probs, expert_indices, num_experts)

    if BATCH_PRIORITIZED:
        permutation = jnp.argsort(-combine_weights[..., 0], axis=-1)
        expert_indices = jnp.take_along_axis(expert_indices, permutation[..., None], axis=-2)

    # Make num_selected_experts the leading axis so that the first selected
    # expert of every token gets buffer priority over second choices, etc.
    flat_expert_indices = jnp.swapaxes(expert_indices, 1, 2).reshape(num_groups, -1)
    expert_index_mask = jax.nn.one_hot(flat_expert_indices, num_experts_static, dtype=jnp.int32)
    token_priority = jnp.cumsum(expert_index_mask, axis=1) * expert_index_mask - 1
    token_priority = jnp.max(token_priority, axis=-1)
    token_priority = token_priority.reshape((num_groups, NUM_SELECTED, tokens_per_group))
    token_priority = jnp.swapaxes(token_priority, 1, 2)

    if BATCH_PRIORITIZED:
        inv_permutation = jnp.argsort(permutation, axis=-1)
        token_priority = jnp.take_along_axis(token_priority, inv_permutation[..., None], axis=-2)
        expert_indices = jnp.take_along_axis(expert_indices, inv_permutation[..., None], axis=-2)

    # Tokens routed past expert capacity are dropped (zero combine weight).
    combine_weights = combine_weights * (token_priority < expert_capacity).astype(combine_weights.dtype)
    dispatch_indices = jnp.stack([expert_indices, token_priority], axis=-1).astype(jnp.int32)
    router_z_loss = _router_z_loss(router_logits)
    return dispatch_indices, combine_weights, auxiliary_loss, router_probs, router_z_loss

if __name__ == "__main__":
    import jax
    _d = setup_inputs()
    print(jax.jit(kernel)(*tuple(_d.values())))

</pallas_src>

<mosaic_0001>
#map = affine_map<(d0, d1) -> (0, 0)>
#map1 = affine_map<(d0, d1) -> (0, 0, 0)>
module attributes {stable_mosaic.version = 14 : i64} {
  func.func @f(%arg0: i32, %arg1: i32, %arg2: memref<2x8192xi32, #tpu.memory_space<hbm>>, %arg3: memref<2x8x8192xi32, #tpu.memory_space<hbm>>, %arg4: memref<2x8x64xi32, #tpu.memory_space<hbm>>, %arg5: memref<2x8x8192xi32, #tpu.memory_space<hbm>>, %arg6: memref<8192xi32, #tpu.memory_space<vmem>>, %arg7: memref<8192xi32, #tpu.memory_space<vmem>>, %arg8: memref<8192xi32, #tpu.memory_space<vmem>>, %arg9: memref<8192xi32, #tpu.memory_space<vmem>>, %arg10: memref<8192xi32, #tpu.memory_space<vmem>>, %arg11: memref<64xi32, #tpu.memory_space<vmem>>) attributes {dimension_semantics = [#tpu.dimension_semantics<core_parallel>, #tpu.dimension_semantics<subcore_parallel>], iteration_bounds = array<i64: 2, 16>, scalar_prefetch = 0 : i64, scratch_operands = 6 : i64, tpu.core_type = #tpu.core_type<sc_vector_subcore>, window_params = [{transform_indices = #map}, {transform_indices = #map1}, {transform_indices = #map1}, {transform_indices = #map1}]} {
    %mul3A = arith.constant 2 : i32
    %mul3A_0 = arith.muli %arg1, %mul3A : i32
    %add3A = arith.addi %mul3A_0, %arg0 : i32
    %lt3A = arith.constant 16 : i32
    %lt3A_1 = arith.cmpi slt, %add3A, %lt3A : i32
    %convert_element_type3A = arith.extui %lt3A_1 : i1 to i32
    %cond3A = arith.constant 0 : i32
    %cond3A_2 = arith.cmpi ne, %convert_element_type3A, %cond3A : i32
    scf.if %cond3A_2 {
      %jit3A = arith.constant 8 : i32
      %div3A = arith.divsi %add3A, %jit3A : i32
      %sign3A = arith.constant 0 : i32
      %sign3A_3 = arith.cmpi sgt, %add3A, %sign3A : i32
      %sign3A_4 = arith.extui %sign3A_3 : i1 to i32
      %sign3A_5 = arith.constant 0 : i32
      %sign3A_6 = arith.cmpi slt, %add3A, %sign3A_5 : i32
      %sign3A_7 = arith.extui %sign3A_6 : i1 to i32
      %sign3A_8 = arith.subi %sign3A_4, %sign3A_7 : i32
      %sign3A_9 = arith.constant 0 : i32
      %sign3A_10 = arith.cmpi sgt, %jit3A, %sign3A_9 : i32
      %sign3A_11 = arith.extui %sign3A_10 : i1 to i32
      %sign3A_12 = arith.constant 0 : i32
      %sign3A_13 = arith.cmpi slt, %jit3A, %sign3A_12 : i32
      %sign3A_14 = arith.extui %sign3A_13 : i1 to i32
      %sign3A_15 = arith.subi %sign3A_11, %sign3A_14 : i32
      %ne3A = arith.cmpi ne, %sign3A_8, %sign3A_15 : i32
      %rem3A = arith.remsi %add3A, %jit3A : i32
      %ne3A_16 = arith.constant 0 : i32
      %ne3A_17 = arith.cmpi ne, %rem3A, %ne3A_16 : i32
      %and3A = arith.andi %ne3A, %ne3A_17 : i1
      %sub3A = arith.constant 1 : i32
      %sub3A_18 = arith.subi %div3A, %sub3A : i32
      %select_n3A = arith.select %and3A, %sub3A_18, %div3A : i32
      %rem3A_19 = arith.constant 8 : i32
      %rem3A_20 = arith.remsi %add3A, %rem3A_19 : i32
      "tpu.region"() ({
        %run_scoped3A = tpu.sem_alloc : memref<!tpu.dma_semaphore, #tpu.memory_space<semaphore_mem>>
        %dma_start3A = arith.constant 0 : i32
        %dma_start3A_37 = tpu.memref_slice %arg2[%select_n3A, %dma_start3A] : memref<2x8192xi32, #tpu.memory_space<hbm>> -> memref<1x8192xi32, #tpu.memory_space<hbm>>
        %dma_start3A_38 = tpu.memref_squeeze %dma_start3A_37 : memref<1x8192xi32, #tpu.memory_space<hbm>> -> memref<8192xi32, #tpu.memory_space<hbm>>
        %dma_start3A_39 = arith.constant 0 : i32
        %dma_start3A_40 = tpu.memref_slice %arg2[%select_n3A, %dma_start3A_39] : memref<2x8192xi32, #tpu.memory_space<hbm>> -> memref<1x8192xi32, #tpu.memory_space<hbm>>
        %dma_start3A_41 = tpu.memref_squeeze %dma_start3A_40 : memref<1x8192xi32, #tpu.memory_space<hbm>> -> memref<8192xi32, #tpu.memory_space<hbm>>
        tpu.enqueue_dma source(%dma_start3A_41 : memref<8192xi32, #tpu.memory_space<hbm>>) target(%arg6 : memref<8192xi32, #tpu.memory_space<vmem>>) target_semaphore(%run_scoped3A : memref<!tpu.dma_semaphore, #tpu.memory_space<semaphore_mem>>)
        %dma_wait3A = arith.constant 0 : i32
        %dma_wait3A_42 = tpu.memref_slice %arg2[%select_n3A, %dma_wait3A] : memref<2x8192xi32, #tpu.memory_space<hbm>> -> memref<1x8192xi32, #tpu.memory_space<hbm>>
        %dma_wait3A_43 = tpu.memref_squeeze %dma_wait3A_42 : memref<1x8192xi32, #tpu.memory_space<hbm>> -> memref<8192xi32, #tpu.memory_space<hbm>>
        %dma_wait3A_44 = arith.constant 0 : i32
        %dma_wait3A_45 = tpu.memref_slice %arg2[%select_n3A, %dma_wait3A_44] : memref<2x8192xi32, #tpu.memory_space<hbm>> -> memref<1x8192xi32, #tpu.memory_space<hbm>>
        %dma_wait3A_46 = tpu.memref_squeeze %dma_wait3A_45 : memref<1x8192xi32, #tpu.memory_space<hbm>> -> memref<8192xi32, #tpu.memory_space<hbm>>
        tpu.wait_dma2 semaphore(%run_scoped3A : memref<!tpu.dma_semaphore, #tpu.memory_space<semaphore_mem>>) src(%dma_wait3A_46 : memref<8192xi32, #tpu.memory_space<hbm>>) dst(%arg6 : memref<8192xi32, #tpu.memory_space<vmem>>)
        tpu.yield
      }) : () -> ()
      "tpu.region"() ({
        %run_scoped3A = tpu.sem_alloc : memref<!tpu.dma_semaphore, #tpu.memory_space<semaphore_mem>>
        %dma_start3A = arith.constant 0 : i32
        %dma_start3A_37 = tpu.memref_slice %arg3[%select_n3A, %rem3A_20, %dma_start3A] : memref<2x8x8192xi32, #tpu.memory_space<hbm>> -> memref<1x1x8192xi32, #tpu.memory_space<hbm>>
        %dma_start3A_38 = tpu.memref_squeeze %dma_start3A_37 : memref<1x1x8192xi32, #tpu.memory_space<hbm>> -> memref<8192xi32, #tpu.memory_space<hbm>>
        %dma_start3A_39 = arith.constant 0 : i32
        %dma_start3A_40 = tpu.memref_slice %arg3[%select_n3A, %rem3A_20, %dma_start3A_39] : memref<2x8x8192xi32, #tpu.memory_space<hbm>> -> memref<1x1x8192xi32, #tpu.memory_space<hbm>>
        %dma_start3A_41 = tpu.memref_squeeze %dma_start3A_40 : memref<1x1x8192xi32, #tpu.memory_space<hbm>> -> memref<8192xi32, #tpu.memory_space<hbm>>
        tpu.enqueue_dma source(%dma_start3A_41 : memref<8192xi32, #tpu.memory_space<hbm>>) target(%arg7 : memref<8192xi32, #tpu.memory_space<vmem>>) target_semaphore(%run_scoped3A : memref<!tpu.dma_semaphore, #tpu.memory_space<semaphore_mem>>)
        %dma_wait3A = arith.constant 0 : i32
        %dma_wait3A_42 = tpu.memref_slice %arg3[%select_n3A, %rem3A_20, %dma_wait3A] : memref<2x8x8192xi32, #tpu.memory_space<hbm>> -> memref<1x1x8192xi32, #tpu.memory_space<hbm>>
        %dma_wait3A_43 = tpu.memref_squeeze %dma_wait3A_42 : memref<1x1x8192xi32, #tpu.memory_space<hbm>> -> memref<8192xi32, #tpu.memory_space<hbm>>
        %dma_wait3A_44 = arith.constant 0 : i32
        %dma_wait3A_45 = tpu.memref_slice %arg3[%select_n3A, %rem3A_20, %dma_wait3A_44] : memref<2x8x8192xi32, #tpu.memory_space<hbm>> -> memref<1x1x8192xi32, #tpu.memory_space<hbm>>
        %dma_wait3A_46 = tpu.memref_squeeze %dma_wait3A_45 : memref<1x1x8192xi32, #tpu.memory_space<hbm>> -> memref<8192xi32, #tpu.memory_space<hbm>>
        tpu.wait_dma2 semaphore(%run_scoped3A : memref<!tpu.dma_semaphore, #tpu.memory_space<semaphore_mem>>) src(%dma_wait3A_46 : memref<8192xi32, #tpu.memory_space<hbm>>) dst(%arg7 : memref<8192xi32, #tpu.memory_space<vmem>>)
        tpu.yield
      }) : () -> ()
      "tpu.region"() ({
        %run_scoped3A = tpu.sem_alloc : memref<!tpu.dma_semaphore, #tpu.memory_space<semaphore_mem>>
        %dma_start3A = arith.constant 0 : i32
        %dma_start3A_37 = tpu.memref_slice %arg4[%select_n3A, %rem3A_20, %dma_start3A] : memref<2x8x64xi32, #tpu.memory_space<hbm>> -> memref<1x1x64xi32, #tpu.memory_space<hbm>>
        %dma_start3A_38 = tpu.memref_squeeze %dma_start3A_37 : memref<1x1x64xi32, #tpu.memory_space<hbm>> -> memref<64xi32, #tpu.memory_space<hbm>>
        %dma_start3A_39 = arith.constant 0 : i32
        %dma_start3A_40 = tpu.memref_slice %arg4[%select_n3A, %rem3A_20, %dma_start3A_39] : memref<2x8x64xi32, #tpu.memory_space<hbm>> -> memref<1x1x64xi32, #tpu.memory_space<hbm>>
        %dma_start3A_41 = tpu.memref_squeeze %dma_start3A_40 : memref<1x1x64xi32, #tpu.memory_space<hbm>> -> memref<64xi32, #tpu.memory_space<hbm>>
        tpu.enqueue_dma source(%dma_start3A_41 : memref<64xi32, #tpu.memory_space<hbm>>) target(%arg11 : memref<64xi32, #tpu.memory_space<vmem>>) target_semaphore(%run_scoped3A : memref<!tpu.dma_semaphore, #tpu.memory_space<semaphore_mem>>)
        %dma_wait3A = arith.constant 0 : i32
        %dma_wait3A_42 = tpu.memref_slice %arg4[%select_n3A, %rem3A_20, %dma_wait3A] : memref<2x8x64xi32, #tpu.memory_space<hbm>> -> memref<1x1x64xi32, #tpu.memory_space<hbm>>
        %dma_wait3A_43 = tpu.memref_squeeze %dma_wait3A_42 : memref<1x1x64xi32, #tpu.memory_space<hbm>> -> memref<64xi32, #tpu.memory_space<hbm>>
        %dma_wait3A_44 = arith.constant 0 : i32
        %dma_wait3A_45 = tpu.memref_slice %arg4[%select_n3A, %rem3A_20, %dma_wait3A_44] : memref<2x8x64xi32, #tpu.memory_space<hbm>> -> memref<1x1x64xi32, #tpu.memory_space<hbm>>
        %dma_wait3A_46 = tpu.memref_squeeze %dma_wait3A_45 : memref<1x1x64xi32, #tpu.memory_space<hbm>> -> memref<64xi32, #tpu.memory_space<hbm>>
        tpu.wait_dma2 semaphore(%run_scoped3A : memref<!tpu.dma_semaphore, #tpu.memory_space<semaphore_mem>>) src(%dma_wait3A_46 : memref<64xi32, #tpu.memory_space<hbm>>) dst(%arg11 : memref<64xi32, #tpu.memory_space<vmem>>)
        tpu.yield
      }) : () -> ()
      %scan3A = arith.constant 0 : i32
      %scan3A_21 = arith.constant 512 : i32
      %scan3A_22 = arith.addi %scan3A, %scan3A_21 : i32
      %scan3A_23 = arith.constant 4 : i32
      scf.for %scan3A_37 = %scan3A to %scan3A_22 step %scan3A_23  : i32 {
        %mul3A_38 = arith.constant 16 : i32
        %mul3A_39 = arith.muli %scan3A_37, %mul3A_38 : i32
        %get3A = arith.index_cast %mul3A_39 : i32 to index
        %get3A_40 = tpu.vector_load %arg6[%get3A] {strides = array<i32>} : memref<8192xi32, #tpu.memory_space<vmem>>, vector<16xi32>,
        %mul3A_41 = arith.constant 16 : i32
        %mul3A_42 = arith.muli %scan3A_37, %mul3A_41 : i32
        %get3A_43 = arith.index_cast %mul3A_42 : i32 to index
        %get3A_44 = tpu.vector_load %arg7[%get3A_43] {strides = array<i32>} : memref<8192xi32, #tpu.memory_space<vmem>>, vector<16xi32>,
        tpu.vector_store_idx %arg8[%get3A_40], %get3A_44 : memref<8192xi32, #tpu.memory_space<vmem>>[vector<16xi32>], vector<16xi32>,
        %scan3A_45 = arith.constant 1 : i32
        %scan3A_46 = arith.addi %scan3A_37, %scan3A_45 : i32
        %mul3A_47 = arith.constant 16 : i32
        %mul3A_48 = arith.muli %scan3A_46, %mul3A_47 : i32
        %get3A_49 = arith.index_cast %mul3A_48 : i32 to index
        %get3A_50 = tpu.vector_load %arg6[%get3A_49] {strides = array<i32>} : memref<8192xi32, #tpu.memory_space<vmem>>, vector<16xi32>,
        %mul3A_51 = arith.constant 16 : i32
        %mul3A_52 = arith.muli %scan3A_46, %mul3A_51 : i32
        %get3A_53 = arith.index_cast %mul3A_52 : i32 to index
        %get3A_54 = tpu.vector_load %arg7[%get3A_53] {strides = array<i32>} : memref<8192xi32, #tpu.memory_space<vmem>>, vector<16xi32>,
        tpu.vector_store_idx %arg8[%get3A_50], %get3A_54 : memref<8192xi32, #tpu.memory_space<vmem>>[vector<16xi32>], vector<16xi32>,
        %scan3A_55 = arith.constant 2 : i32
        %scan3A_56 = arith.addi %scan3A_37, %scan3A_55 : i32
        %mul3A_57 = arith.constant 16 : i32
        %mul3A_58 = arith.muli %scan3A_56, %mul3A_57 : i32
        %get3A_59 = arith.index_cast %mul3A_58 : i32 to index
        %get3A_60 = tpu.vector_load %arg6[%get3A_59] {strides = array<i32>} : memref<8192xi32, #tpu.memory_space<vmem>>, vector<16xi32>,
        %mul3A_61 = arith.constant 16 : i32
        %mul3A_62 = arith.muli %scan3A_56, %mul3A_61 : i32
        %get3A_63 = arith.index_cast %mul3A_62 : i32 to index
        %get3A_64 = tpu.vector_load %arg7[%get3A_63] {strides = array<i32>} : memref<8192xi32, #tpu.memory_space<vmem>>, vector<16xi32>,
        tpu.vector_store_idx %arg8[%get3A_60], %get3A_64 : memref<8192xi32, #tpu.memory_space<vmem>>[vector<16xi32>], vector<16xi32>,
        %scan3A_65 = arith.constant 3 : i32
        %scan3A_66 = arith.addi %scan3A_37, %scan3A_65 : i32
        %mul3A_67 = arith.constant 16 : i32
        %mul3A_68 = arith.muli %scan3A_66, %mul3A_67 : i32
        %get3A_69 = arith.index_cast %mul3A_68 : i32 to index
        %get3A_70 = tpu.vector_load %arg6[%get3A_69] {strides = array<i32>} : memref<8192xi32, #tpu.memory_space<vmem>>, vector<16xi32>,
        %mul3A_71 = arith.constant 16 : i32
        %mul3A_72 = arith.muli %scan3A_66, %mul3A_71 : i32
        %get3A_73 = arith.index_cast %mul3A_72 : i32 to index
        %get3A_74 = tpu.vector_load %arg7[%get3A_73] {strides = array<i32>} : memref<8192xi32, #tpu.memory_space<vmem>>, vector<16xi32>,
        tpu.vector_store_idx %arg8[%get3A_70], %get3A_74 : memref<8192xi32, #tpu.memory_space<vmem>>[vector<16xi32>], vector<16xi32>,
      }
      %scan3A_24 = arith.constant 512 : i32
      %iota3A = tpu.iota {dimensions = array<i32: 0>} : vector<16xi32>
      %broadcast_in_dim3A = arith.constant true
      %broadcast_in_dim3A_25 = vector.broadcast %broadcast_in_dim3A : i1 to vector<16xi1>
      %unique3A, %unique3A_26 = tpu.scan_count mask(%broadcast_in_dim3A_25 : vector<16xi1>) value(%iota3A : vector<16xi32>) : vector<16xi1>, vector<16xi32>
      %scan3A_27 = arith.constant 0 : i32
      %scan3A_28 = arith.constant 512 : i32
      %scan3A_29 = arith.addi %scan3A_27, %scan3A_28 : i32
      %scan3A_30 = arith.constant 4 : i32
      scf.for %scan3A_37 = %scan3A_27 to %scan3A_29 step %scan3A_30  : i32 {
        %mul3A_38 = arith.constant 16 : i32
        %mul3A_39 = arith.muli %scan3A_37, %mul3A_38 : i32
        %get3A = arith.index_cast %mul3A_39 : i32 to index
        %get3A_40 = tpu.vector_load %arg8[%get3A] {strides = array<i32>} : memref<8192xi32, #tpu.memory_space<vmem>>, vector<16xi32>,
        %broadcast_in_dim3A_41 = arith.constant true
        %broadcast_in_dim3A_42 = vector.broadcast %broadcast_in_dim3A_41 : i1 to vector<16xi1>
        %unique3A_43, %unique3A_44 = tpu.scan_count mask(%broadcast_in_dim3A_42 : vector<16xi1>) value(%get3A_40 : vector<16xi32>) : vector<16xi1>, vector<16xi32>
        %sub3A_45 = arith.subi %unique3A_44, %unique3A_26 : vector<16xi32>
        %gather3A = tpu.vector_load_idx %arg11[%get3A_40] : memref<64xi32, #tpu.memory_space<vmem>>[vector<16xi32>], vector<16xi32>,
        %add3A_46 = arith.addi %gather3A, %sub3A_45 : vector<16xi32>
        %mul3A_47 = arith.constant 16 : i32
        %mul3A_48 = arith.muli %scan3A_37, %mul3A_47 : i32
        %swap3A = arith.index_cast %mul3A_48 : i32 to index
        %swap3A_49 = tpu.vector_load %arg9[%swap3A] {strides = array<i32>} : memref<8192xi32, #tpu.memory_space<vmem>>, vector<16xi32>,
        tpu.vector_store %arg9[%swap3A], %add3A_46 {strides = array<i32>} : memref<8192xi32, #tpu.memory_space<vmem>>, vector<16xi32>,
        %add3A_50 = arith.addi %gather3A, %sub3A_45 : vector<16xi32>
        %add3A_51 = arith.constant 1 : i32
        %add3A_52 = vector.broadcast %add3A_51 : i32 to vector<16xi32>
        %add3A_53 = arith.addi %add3A_50, %add3A_52 : vector<16xi32>
        tpu.vector_store_idx %arg11[%get3A_40], %add3A_53 masked %unique3A_43 : memref<64xi32, #tpu.memory_space<vmem>>[vector<16xi32>], vector<16xi32>, vector<16xi1>
        %scan3A_54 = arith.constant 1 : i32
        %scan3A_55 = arith.addi %scan3A_37, %scan3A_54 : i32
        %mul3A_56 = arith.constant 16 : i32
        %mul3A_57 = arith.muli %scan3A_55, %mul3A_56 : i32
        %get3A_58 = arith.index_cast %mul3A_57 : i32 to index
        %get3A_59 = tpu.vector_load %arg8[%get3A_58] {strides = array<i32>} : memref<8192xi32, #tpu.memory_space<vmem>>, vector<16xi32>,
        %broadcast_in_dim3A_60 = arith.constant true
        %broadcast_in_dim3A_61 = vector.broadcast %broadcast_in_dim3A_60 : i1 to vector<16xi1>
        %unique3A_62, %unique3A_63 = tpu.scan_count mask(%broadcast_in_dim3A_61 : vector<16xi1>) value(%get3A_59 : vector<16xi32>) : vector<16xi1>, vector<16xi32>
        %sub3A_64 = arith.subi %unique3A_63, %unique3A_26 : vector<16xi32>
        %gather3A_65 = tpu.vector_load_idx %arg11[%get3A_59] : memref<64xi32, #tpu.memory_space<vmem>>[vector<16xi32>], vector<16xi32>,
        %add3A_66 = arith.addi %gather3A_65, %sub3A_64 : vector<16xi32>
        %mul3A_67 = arith.constant 16 : i32
        %mul3A_68 = arith.muli %scan3A_55, %mul3A_67 : i32
        %swap3A_69 = arith.index_cast %mul3A_68 : i32 to index
        %swap3A_70 = tpu.vector_load %arg9[%swap3A_69] {strides = array<i32>} : memref<8192xi32, #tpu.memory_space<vmem>>, vector<16xi32>,
        tpu.vector_store %arg9[%swap3A_69], %add3A_66 {strides = array<i32>} : memref<8192xi32, #tpu.memory_space<vmem>>, vector<16xi32>,
        %add3A_71 = arith.addi %gather3A_65, %sub3A_64 : vector<16xi32>
        %add3A_72 = arith.constant 1 : i32
        %add3A_73 = vector.broadcast %add3A_72 : i32 to vector<16xi32>
        %add3A_74 = arith.addi %add3A_71, %add3A_73 : vector<16xi32>
        tpu.vector_store_idx %arg11[%get3A_59], %add3A_74 masked %unique3A_62 : memref<64xi32, #tpu.memory_space<vmem>>[vector<16xi32>], vector<16xi32>, vector<16xi1>
        %scan3A_75 = arith.constant 2 : i32
        %scan3A_76 = arith.addi %scan3A_37, %scan3A_75 : i32
        %mul3A_77 = arith.constant 16 : i32
        %mul3A_78 = arith.muli %scan3A_76, %mul3A_77 : i32
        %get3A_79 = arith.index_cast %mul3A_78 : i32 to index
        %get3A_80 = tpu.vector_load %arg8[%get3A_79] {strides = array<i32>} : memref<8192xi32, #tpu.memory_space<vmem>>, vector<16xi32>,
        %broadcast_in_dim3A_81 = arith.constant true
        %broadcast_in_dim3A_82 = vector.broadcast %broadcast_in_dim3A_81 : i1 to vector<16xi1>
        %unique3A_83, %unique3A_84 = tpu.scan_count mask(%broadcast_in_dim3A_82 : vector<16xi1>) value(%get3A_80 : vector<16xi32>) : vector<16xi1>, vector<16xi32>
        %sub3A_85 = arith.subi %unique3A_84, %unique3A_26 : vector<16xi32>
        %gather3A_86 = tpu.vector_load_idx %arg11[%get3A_80] : memref<64xi32, #tpu.memory_space<vmem>>[vector<16xi32>], vector<16xi32>,
        %add3A_87 = arith.addi %gather3A_86, %sub3A_85 : vector<16xi32>
        %mul3A_88 = arith.constant 16 : i32
        %mul3A_89 = arith.muli %scan3A_76, %mul3A_88 : i32
        %swap3A_90 = arith.index_cast %mul3A_89 : i32 to index
        %swap3A_91 = tpu.vector_load %arg9[%swap3A_90] {strides = array<i32>} : memref<8192xi32, #tpu.memory_space<vmem>>, vector<16xi32>,
        tpu.vector_store %arg9[%swap3A_90], %add3A_87 {strides = array<i32>} : memref<8192xi32, #tpu.memory_space<vmem>>, vector<16xi32>,
        %add3A_92 = arith.addi %gather3A_86, %sub3A_85 : vector<16xi32>
        %add3A_93 = arith.constant 1 : i32
        %add3A_94 = vector.broadcast %add3A_93 : i32 to vector<16xi32>
        %add3A_95 = arith.addi %add3A_92, %add3A_94 : vector<16xi32>
        tpu.vector_store_idx %arg11[%get3A_80], %add3A_95 masked %unique3A_83 : memref<64xi32, #tpu.memory_space<vmem>>[vector<16xi32>], vector<16xi32>, vector<16xi1>
        %scan3A_96 = arith.constant 3 : i32
        %scan3A_97 = arith.addi %scan3A_37, %scan3A_96 : i32
        %mul3A_98 = arith.constant 16 : i32
        %mul3A_99 = arith.muli %scan3A_97, %mul3A_98 : i32
        %get3A_100 = arith.index_cast %mul3A_99 : i32 to index
        %get3A_101 = tpu.vector_load %arg8[%get3A_100] {strides = array<i32>} : memref<8192xi32, #tpu.memory_space<vmem>>, vector<16xi32>,
        %broadcast_in_dim3A_102 = arith.constant true
        %broadcast_in_dim3A_103 = vector.broadcast %broadcast_in_dim3A_102 : i1 to vector<16xi1>
        %unique3A_104, %unique3A_105 = tpu.scan_count mask(%broadcast_in_dim3A_103 : vector<16xi1>) value(%get3A_101 : vector<16xi32>) : vector<16xi1>, vector<16xi32>
        %sub3A_106 = arith.subi %unique3A_105, %unique3A_26 : vector<16xi32>
        %gather3A_107 = tpu.vector_load_idx %arg11[%get3A_101] : memref<64xi32, #tpu.memory_space<vmem>>[vector<16xi32>], vector<16xi32>,
        %add3A_108 = arith.addi %gather3A_107, %sub3A_106 : vector<16xi32>
        %mul3A_109 = arith.constant 16 : i32
        %mul3A_110 = arith.muli %scan3A_97, %mul3A_109 : i32
        %swap3A_111 = arith.index_cast %mul3A_110 : i32 to index
        %swap3A_112 = tpu.vector_load %arg9[%swap3A_111] {strides = array<i32>} : memref<8192xi32, #tpu.memory_space<vmem>>, vector<16xi32>,
        tpu.vector_store %arg9[%swap3A_111], %add3A_108 {strides = array<i32>} : memref<8192xi32, #tpu.memory_space<vmem>>, vector<16xi32>,
        %add3A_113 = arith.addi %gather3A_107, %sub3A_106 : vector<16xi32>
        %add3A_114 = arith.constant 1 : i32
        %add3A_115 = vector.broadcast %add3A_114 : i32 to vector<16xi32>
        %add3A_116 = arith.addi %add3A_113, %add3A_115 : vector<16xi32>
        tpu.vector_store_idx %arg11[%get3A_101], %add3A_116 masked %unique3A_104 : memref<64xi32, #tpu.memory_space<vmem>>[vector<16xi32>], vector<16xi32>, vector<16xi1>
      }
      %scan3A_31 = arith.constant 512 : i32
      %scan3A_32 = arith.constant 0 : i32
      %scan3A_33 = arith.constant 512 : i32
      %scan3A_34 = arith.addi %scan3A_32, %scan3A_33 : i32
      %scan3A_35 = arith.constant 4 : i32
      scf.for %scan3A_37 = %scan3A_32 to %scan3A_34 step %scan3A_35  : i32 {
        %mul3A_38 = arith.constant 16 : i32
        %mul3A_39 = arith.muli %scan3A_37, %mul3A_38 : i32
        %get3A = arith.index_cast %mul3A_39 : i32 to index
        %get3A_40 = tpu.vector_load %arg6[%get3A] {strides = array<i32>} : memref<8192xi32, #tpu.memory_space<vmem>>, vector<16xi32>,
        %gather3A = tpu.vector_load_idx %arg9[%get3A_40] : memref<8192xi32, #tpu.memory_space<vmem>>[vector<16xi32>], vector<16xi32>,
        %mul3A_41 = arith.constant 16 : i32
        %mul3A_42 = arith.muli %scan3A_37, %mul3A_41 : i32
        %swap3A = arith.index_cast %mul3A_42 : i32 to index
        %swap3A_43 = tpu.vector_load %arg10[%swap3A] {strides = array<i32>} : memref<8192xi32, #tpu.memory_space<vmem>>, vector<16xi32>,
        tpu.vector_store %arg10[%swap3A], %gather3A {strides = array<i32>} : memref<8192xi32, #tpu.memory_space<vmem>>, vector<16xi32>,
        %scan3A_44 = arith.constant 1 : i32
        %scan3A_45 = arith.addi %scan3A_37, %scan3A_44 : i32
        %mul3A_46 = arith.constant 16 : i32
        %mul3A_47 = arith.muli %scan3A_45, %mul3A_46 : i32
        %get3A_48 = arith.index_cast %mul3A_47 : i32 to index
        %get3A_49 = tpu.vector_load %arg6[%get3A_48] {strides = array<i32>} : memref<8192xi32, #tpu.memory_space<vmem>>, vector<16xi32>,
        %gather3A_50 = tpu.vector_load_idx %arg9[%get3A_49] : memref<8192xi32, #tpu.memory_space<vmem>>[vector<16xi32>], vector<16xi32>,
        %mul3A_51 = arith.constant 16 : i32
        %mul3A_52 = arith.muli %scan3A_45, %mul3A_51 : i32
        %swap3A_53 = arith.index_cast %mul3A_52 : i32 to index
        %swap3A_54 = tpu.vector_load %arg10[%swap3A_53] {strides = array<i32>} : memref<8192xi32, #tpu.memory_space<vmem>>, vector<16xi32>,
        tpu.vector_store %arg10[%swap3A_53], %gather3A_50 {strides = array<i32>} : memref<8192xi32, #tpu.memory_space<vmem>>, vector<16xi32>,
        %scan3A_55 = arith.constant 2 : i32
        %scan3A_56 = arith.addi %scan3A_37, %scan3A_55 : i32
        %mul3A_57 = arith.constant 16 : i32
        %mul3A_58 = arith.muli %scan3A_56, %mul3A_57 : i32
        %get3A_59 = arith.index_cast %mul3A_58 : i32 to index
        %get3A_60 = tpu.vector_load %arg6[%get3A_59] {strides = array<i32>} : memref<8192xi32, #tpu.memory_space<vmem>>, vector<16xi32>,
        %gather3A_61 = tpu.vector_load_idx %arg9[%get3A_60] : memref<8192xi32, #tpu.memory_space<vmem>>[vector<16xi32>], vector<16xi32>,
        %mul3A_62 = arith.constant 16 : i32
        %mul3A_63 = arith.muli %scan3A_56, %mul3A_62 : i32
        %swap3A_64 = arith.index_cast %mul3A_63 : i32 to index
        %swap3A_65 = tpu.vector_load %arg10[%swap3A_64] {strides = array<i32>} : memref<8192xi32, #tpu.memory_space<vmem>>, vector<16xi32>,
        tpu.vector_store %arg10[%swap3A_64], %gather3A_61 {strides = array<i32>} : memref<8192xi32, #tpu.memory_space<vmem>>, vector<16xi32>,
        %scan3A_66 = arith.constant 3 : i32
        %scan3A_67 = arith.addi %scan3A_37, %scan3A_66 : i32
        %mul3A_68 = arith.constant 16 : i32
        %mul3A_69 = arith.muli %scan3A_67, %mul3A_68 : i32
        %get3A_70 = arith.index_cast %mul3A_69 : i32 to index
        %get3A_71 = tpu.vector_load %arg6[%get3A_70] {strides = array<i32>} : memref<8192xi32, #tpu.memory_space<vmem>>, vector<16xi32>,
        %gather3A_72 = tpu.vector_load_idx %arg9[%get3A_71] : memref<8192xi32, #tpu.memory_space<vmem>>[vector<16xi32>], vector<16xi32>,
        %mul3A_73 = arith.constant 16 : i32
        %mul3A_74 = arith.muli %scan3A_67, %mul3A_73 : i32
        %swap3A_75 = arith.index_cast %mul3A_74 : i32 to index
        %swap3A_76 = tpu.vector_load %arg10[%swap3A_75] {strides = array<i32>} : memref<8192xi32, #tpu.memory_space<vmem>>, vector<16xi32>,
        tpu.vector_store %arg10[%swap3A_75], %gather3A_72 {strides = array<i32>} : memref<8192xi32, #tpu.memory_space<vmem>>, vector<16xi32>,
      }
      %scan3A_36 = arith.constant 512 : i32
      "tpu.region"() ({
        %run_scoped3A = tpu.sem_alloc : memref<!tpu.dma_semaphore, #tpu.memory_space<semaphore_mem>>
        %dma_start3A = arith.constant 0 : i32
        %dma_start3A_37 = tpu.memref_slice %arg5[%select_n3A, %rem3A_20, %dma_start3A] : memref<2x8x8192xi32, #tpu.memory_space<hbm>> -> memref<1x1x8192xi32, #tpu.memory_space<hbm>>
        %dma_start3A_38 = tpu.memref_squeeze %dma_start3A_37 : memref<1x1x8192xi32, #tpu.memory_space<hbm>> -> memref<8192xi32, #tpu.memory_space<hbm>>
        %dma_start3A_39 = arith.constant 0 : i32
        %dma_start3A_40 = tpu.memref_slice %arg5[%select_n3A, %rem3A_20, %dma_start3A_39] : memref<2x8x8192xi32, #tpu.memory_space<hbm>> -> memref<1x1x8192xi32, #tpu.memory_space<hbm>>
        %dma_start3A_41 = tpu.memref_squeeze %dma_start3A_40 : memref<1x1x8192xi32, #tpu.memory_space<hbm>> -> memref<8192xi32, #tpu.memory_space<hbm>>
        tpu.enqueue_dma source(%arg10 : memref<8192xi32, #tpu.memory_space<vmem>>) target(%dma_start3A_41 : memref<8192xi32, #tpu.memory_space<hbm>>) target_semaphore(%run_scoped3A : memref<!tpu.dma_semaphore, #tpu.memory_space<semaphore_mem>>)
        %dma_wait3A = arith.constant 0 : i32
        %dma_wait3A_42 = tpu.memref_slice %arg5[%select_n3A, %rem3A_20, %dma_wait3A] : memref<2x8x8192xi32, #tpu.memory_space<hbm>> -> memref<1x1x8192xi32, #tpu.memory_space<hbm>>
        %dma_wait3A_43 = tpu.memref_squeeze %dma_wait3A_42 : memref<1x1x8192xi32, #tpu.memory_space<hbm>> -> memref<8192xi32, #tpu.memory_space<hbm>>
        %dma_wait3A_44 = arith.constant 0 : i32
        %dma_wait3A_45 = tpu.memref_slice %arg5[%select_n3A, %rem3A_20, %dma_wait3A_44] : memref<2x8x8192xi32, #tpu.memory_space<hbm>> -> memref<1x1x8192xi32, #tpu.memory_space<hbm>>
        %dma_wait3A_46 = tpu.memref_squeeze %dma_wait3A_45 : memref<1x1x8192xi32, #tpu.memory_space<hbm>> -> memref<8192xi32, #tpu.memory_space<hbm>>
        tpu.wait_dma2 semaphore(%run_scoped3A : memref<!tpu.dma_semaphore, #tpu.memory_space<semaphore_mem>>) src(%arg10 : memref<8192xi32, #tpu.memory_space<vmem>>) dst(%dma_wait3A_46 : memref<8192xi32, #tpu.memory_space<hbm>>)
        tpu.yield
      }) : () -> ()
    } else {
    }
    return
  }
}

module attributes {stable_mosaic.version = 14 : i64} {
  func.func @_router_block(%arg0: i32, %arg1: i32, %arg2: memref<1x1024x2048xf32, #tpu.memory_space<vmem>>, %arg3: memref<2048x64xf32, #tpu.memory_space<vmem>>, %arg4: memref<1x64xf32, #tpu.memory_space<vmem>>, %arg5: memref<1x1024x64xf32, #tpu.memory_space<vmem>>, %arg6: memref<1x8x1024xf32, #tpu.memory_space<vmem>>, %arg7: memref<1x8x1024xi32, #tpu.memory_space<vmem>>, %arg8: memref<1x16x64xf32, #tpu.memory_space<vmem>>) attributes {dimension_semantics = [#tpu.dimension_semantics<arbitrary>, #tpu.dimension_semantics<arbitrary>], iteration_bounds = array<i64: 2, 8>, scalar_prefetch = 0 : i64, scratch_operands = 0 : i64, tpu.core_type = #tpu.core_type<tc>, window_params = [{transform_indices = @transform_0, window_bounds = array<i64: 1, 1024, 2048>}, {pipeline_mode = #tpu.pipeline_mode<synchronous>, transform_indices = @transform_1, window_bounds = array<i64: 2048, 64>}, {pipeline_mode = #tpu.pipeline_mode<synchronous>, transform_indices = @transform_2, window_bounds = array<i64: 1, 64>}, {transform_indices = @transform_3, window_bounds = array<i64: 1, 1024, 64>}, {transform_indices = @transform_4, window_bounds = array<i64: 1, 8, 1024>}, {transform_indices = @transform_5, window_bounds = array<i64: 1, 8, 1024>}, {transform_indices = @transform_6, window_bounds = array<i64: 1, 16, 64>}]} {
    %get3A = arith.constant 0 : index
    %get3A_0 = arith.constant 0 : index
    %get3A_1 = arith.constant 0 : index
    %get3A_2 = vector.load %arg2[%get3A, %get3A_0, %get3A_1] : memref<1x1024x2048xf32, #tpu.memory_space<vmem>>, vector<1x1024x2048xf32>
    %get3A_3 = vector.shape_cast %get3A_2 : vector<1x1024x2048xf32> to vector<1024x2048xf32>
    %get3A_4 = arith.constant 0 : index
    %get3A_5 = arith.constant 0 : index
    %get3A_6 = vector.load %arg3[%get3A_4, %get3A_5] : memref<2048x64xf32, #tpu.memory_space<vmem>>, vector<2048x64xf32>
    %dot_general3A = arith.constant dense<0.000000e+00> : vector<1024x64xf32>
    %dot_general3A_7 = tpu.matmul %get3A_3, %get3A_6, %dot_general3A {dimension_numbers = #tpu.dot_dimension_numbers<[1], [0], [0], [1], [0, 0, 1, 1], [], []>, transpose_lhs_hint = false} : vector<1024x2048xf32>, vector<2048x64xf32>, vector<1024x64xf32> -> vector<1024x64xf32>
    %get3A_8 = arith.constant 0 : index
    %get3A_9 = arith.constant 0 : index
    %get3A_10 = vector.load %arg4[%get3A_8, %get3A_9] : memref<1x64xf32, #tpu.memory_space<vmem>>, vector<1x64xf32>
    %get3A_11 = vector.shape_cast %get3A_10 : vector<1x64xf32> to vector<64xf32>
    %broadcast_in_dim3A = vector.shape_cast %get3A_11 : vector<64xf32> to vector<1x64xf32>
    %add3A = vector.broadcast %broadcast_in_dim3A : vector<1x64xf32> to vector<1024x64xf32>
    %add3A_12 = arith.addf %dot_general3A_7, %add3A : vector<1024x64xf32>
    %transpose3A = tpu.transpose %add3A_12, [1, 0] : vector<1024x64xf32> -> vector<64x1024xf32>
    %reduce_max3A = arith.constant dense<0xFF800000> : vector<1024xf32>
    %reduce_max3A_13 = vector.multi_reduction <maximumf>, %transpose3A, %reduce_max3A [0] : vector<64x1024xf32> to vector<1024xf32>
    %broadcast_in_dim3A_14 = vector.shape_cast %reduce_max3A_13 : vector<1024xf32> to vector<1x1024xf32>
    %sub3A = vector.broadcast %broadcast_in_dim3A_14 : vector<1x1024xf32> to vector<64x1024xf32>
    %sub3A_15 = arith.subf %transpose3A, %sub3A : vector<64x1024xf32>
    %exp3A = math.exp %sub3A_15 : vector<64x1024xf32>
    %reduce_sum3A = arith.constant dense<0.000000e+00> : vector<1024xf32>
    %reduce_sum3A_16 = vector.multi_reduction <add>, %exp3A, %reduce_sum3A [0] : vector<64x1024xf32> to vector<1024xf32>
    %broadcast_in_dim3A_17 = vector.shape_cast %reduce_sum3A_16 : vector<1024xf32> to vector<1x1024xf32>
    %div3A = vector.broadcast %broadcast_in_dim3A_17 : vector<1x1024xf32> to vector<64x1024xf32>
    %div3A_18 = arith.divf %exp3A, %div3A : vector<64x1024xf32>
    %transpose3A_19 = tpu.transpose %div3A_18, [1, 0] : vector<64x1024xf32> -> vector<1024x64xf32>
    %swap3A = arith.constant 0 : index
    %swap3A_20 = arith.constant 0 : index
    %swap3A_21 = arith.constant 0 : index
    %swap3A_22 = vector.load %arg5[%swap3A, %swap3A_20, %swap3A_21] : memref<1x1024x64xf32, #tpu.memory_space<vmem>>, vector<1x1024x64xf32>
    %swap3A_23 = vector.shape_cast %swap3A_22 : vector<1x1024x64xf32> to vector<1024x64xf32>
    %swap3A_24 = vector.shape_cast %transpose3A_19 : vector<1024x64xf32> to vector<1x1024x64xf32>
    tpu.vector_store %arg5[%swap3A, %swap3A_20, %swap3A_21], %swap3A_24 {strides = array<i32>} : memref<1x1024x64xf32, #tpu.memory_space<vmem>>, vector<1x1024x64xf32>,
    %log3A = math.log %broadcast_in_dim3A_17 : vector<1x1024xf32>
    %add3A_25 = arith.addf %broadcast_in_dim3A_14, %log3A : vector<1x1024xf32>
    %mul3A = arith.mulf %add3A_25, %add3A_25 : vector<1x1024xf32>
    %reduce_sum3A_26 = vector.shape_cast %mul3A : vector<1x1024xf32> to vector<1x1x1024xf32>
    %reduce_sum3A_27 = arith.constant dense<0.000000e+00> : vector<1xf32>
    %reduce_sum3A_28 = vector.multi_reduction <add>, %reduce_sum3A_26, %reduce_sum3A_27 [1, 2] : vector<1x1x1024xf32> to vector<1xf32>
    %reduce_sum3A_29 = vector.shape_cast %reduce_sum3A_28 : vector<1xf32> to vector<1x1x1xf32>
    %reduce_sum3A_30 = vector.extract %reduce_sum3A_29[0, 0, 0] : f32 from vector<1x1x1xf32>
    %iota3A = tpu.iota {dimensions = array<i32: 0>} : vector<64x1024xi32>
    %reduce_max3A_31 = arith.constant dense<0xFF800000> : vector<1024xf32>
    %reduce_max3A_32 = vector.multi_reduction <maximumf>, %div3A_18, %reduce_max3A_31 [0] : vector<64x1024xf32> to vector<1024xf32>
    %broadcast_in_dim3A_33 = vector.shape_cast %reduce_max3A_32 : vector<1024xf32> to vector<1x1024xf32>
    %eq3A = vector.broadcast %broadcast_in_dim3A_33 : vector<1x1024xf32> to vector<64x1024xf32>
    %eq3A_34 = arith.cmpf oeq, %div3A_18, %eq3A : vector<64x1024xf32>
    %jit3A = arith.constant 64 : i32
    %broadcast_in_dim3A_35 = vector.broadcast %jit3A : i32 to vector<64x1024xi32>
    %select_n3A = arith.select %eq3A_34, %iota3A, %broadcast_in_dim3A_35 : vector<64x1024xi1>, vector<64x1024xi32>
    %reduce_min3A = arith.constant dense<2147483647> : vector<1024xi32>
    %reduce_min3A_36 = vector.multi_reduction <minsi>, %select_n3A, %reduce_min3A [0] : vector<64x1024xi32> to vector<1024xi32>
    %broadcast_in_dim3A_37 = vector.shape_cast %reduce_min3A_36 : vector<1024xi32> to vector<1x1024xi32>
    %eq3A_38 = vector.broadcast %broadcast_in_dim3A_37 : vector<1x1024xi32> to vector<64x1024xi32>
    %eq3A_39 = arith.cmpi eq, %iota3A, %eq3A_38 : vector<64x1024xi32>
    %jit3A_40 = arith.constant 0xFF800000 : f32
    %broadcast_in_dim3A_41 = vector.broadcast %jit3A_40 : f32 to vector<64x1024xf32>
    %select_n3A_42 = arith.select %eq3A_39, %broadcast_in_dim3A_41, %div3A_18 : vector<64x1024xi1>, vector<64x1024xf32>
    %reduce_max3A_43 = arith.constant dense<0xFF800000> : vector<1024xf32>
    %reduce_max3A_44 = vector.multi_reduction <maximumf>, %select_n3A_42, %reduce_max3A_43 [0] : vector<64x1024xf32> to vector<1024xf32>
    %broadcast_in_dim3A_45 = vector.shape_cast %reduce_max3A_44 : vector<1024xf32> to vector<1x1024xf32>
    %eq3A_46 = vector.broadcast %broadcast_in_dim3A_45 : vector<1x1024xf32> to vector<64x1024xf32>
    %eq3A_47 = arith.cmpf oeq, %select_n3A_42, %eq3A_46 : vector<64x1024xf32>
    %jit3A_48 = arith.constant 64 : i32
    %broadcast_in_dim3A_49 = vector.broadcast %jit3A_48 : i32 to vector<64x1024xi32>
    %select_n3A_50 = arith.select %eq3A_47, %iota3A, %broadcast_in_dim3A_49 : vector<64x1024xi1>, vector<64x1024xi32>
    %reduce_min3A_51 = arith.constant dense<2147483647> : vector<1024xi32>
    %reduce_min3A_52 = vector.multi_reduction <minsi>, %select_n3A_50, %reduce_min3A_51 [0] : vector<64x1024xi32> to vector<1024xi32>
    %broadcast_in_dim3A_53 = vector.shape_cast %reduce_min3A_52 : vector<1024xi32> to vector<1x1024xi32>
    %eq3A_54 = vector.broadcast %broadcast_in_dim3A_53 : vector<1x1024xi32> to vector<64x1024xi32>
    %eq3A_55 = arith.cmpi eq, %iota3A, %eq3A_54 : vector<64x1024xi32>
    %jit3A_56 = arith.constant 0xFF800000 : f32
    %broadcast_in_dim3A_57 = vector.broadcast %jit3A_56 : f32 to vector<64x1024xf32>
    %select_n3A_58 = arith.select %eq3A_55, %broadcast_in_dim3A_57, %select_n3A_42 : vector<64x1024xi1>, vector<64x1024xf32>
    %reduce_max3A_59 = arith.constant dense<0xFF800000> : vector<1024xf32>
    %reduce_max3A_60 = vector.multi_reduction <maximumf>, %select_n3A_58, %reduce_max3A_59 [0] : vector<64x1024xf32> to vector<1024xf32>
    %broadcast_in_dim3A_61 = vector.shape_cast %reduce_max3A_60 : vector<1024xf32> to vector<1x1024xf32>
    %eq3A_62 = vector.broadcast %broadcast_in_dim3A_61 : vector<1x1024xf32> to vector<64x1024xf32>
    %eq3A_63 = arith.cmpf oeq, %select_n3A_58, %eq3A_62 : vector<64x1024xf32>
    %jit3A_64 = arith.constant 64 : i32
    %broadcast_in_dim3A_65 = vector.broadcast %jit3A_64 : i32 to vector<64x1024xi32>
    %select_n3A_66 = arith.select %eq3A_63, %iota3A, %broadcast_in_dim3A_65 : vector<64x1024xi1>, vector<64x1024xi32>
    %reduce_min3A_67 = arith.constant dense<2147483647> : vector<1024xi32>
    %reduce_min3A_68 = vector.multi_reduction <minsi>, %select_n3A_66, %reduce_min3A_67 [0] : vector<64x1024xi32> to vector<1024xi32>
    %broadcast_in_dim3A_69 = vector.shape_cast %reduce_min3A_68 : vector<1024xi32> to vector<1x1024xi32>
    %eq3A_70 = vector.broadcast %broadcast_in_dim3A_69 : vector<1x1024xi32> to vector<64x1024xi32>
    %eq3A_71 = arith.cmpi eq, %iota3A, %eq3A_70 : vector<64x1024xi32>
    %jit3A_72 = arith.constant 0xFF800000 : f32
    %broadcast_in_dim3A_73 = vector.broadcast %jit3A_72 : f32 to vector<64x1024xf32>
    %select_n3A_74 = arith.select %eq3A_71, %broadcast_in_dim3A_73, %select_n3A_58 : vector<64x1024xi1>, vector<64x1024xf32>
    %reduce_max3A_75 = arith.constant dense<0xFF800000> : vector<1024xf32>
    %reduce_max3A_76 = vector.multi_reduction <maximumf>, %select_n3A_74, %reduce_max3A_75 [0] : vector<64x1024xf32> to vector<1024xf32>
    %broadcast_in_dim3A_77 = vector.shape_cast %reduce_max3A_76 : vector<1024xf32> to vector<1x1024xf32>
    %eq3A_78 = vector.broadcast %broadcast_in_dim3A_77 : vector<1x1024xf32> to vector<64x1024xf32>
    %eq3A_79 = arith.cmpf oeq, %select_n3A_74, %eq3A_78 : vector<64x1024xf32>
    %jit3A_80 = arith.constant 64 : i32
    %broadcast_in_dim3A_81 = vector.broadcast %jit3A_80 : i32 to vector<64x1024xi32>
    %select_n3A_82 = arith.select %eq3A_79, %iota3A, %broadcast_in_dim3A_81 : vector<64x1024xi1>, vector<64x1024xi32>
    %reduce_min3A_83 = arith.constant dense<2147483647> : vector<1024xi32>
    %reduce_min3A_84 = vector.multi_reduction <minsi>, %select_n3A_82, %reduce_min3A_83 [0] : vector<64x1024xi32> to vector<1024xi32>
    %broadcast_in_dim3A_85 = vector.shape_cast %reduce_min3A_84 : vector<1024xi32> to vector<1x1024xi32>
    %eq3A_86 = vector.broadcast %broadcast_in_dim3A_85 : vector<1x1024xi32> to vector<64x1024xi32>
    %eq3A_87 = arith.cmpi eq, %iota3A, %eq3A_86 : vector<64x1024xi32>
    %jit3A_88 = arith.constant 0xFF800000 : f32
    %broadcast_in_dim3A_89 = vector.broadcast %jit3A_88 : f32 to vector<64x1024xf32>
    %select_n3A_90 = arith.select %eq3A_87, %broadcast_in_dim3A_89, %select_n3A_74 : vector<64x1024xi1>, vector<64x1024xf32>
    %reduce_max3A_91 = arith.constant dense<0xFF800000> : vector<1024xf32>
    %reduce_max3A_92 = vector.multi_reduction <maximumf>, %select_n3A_90, %reduce_max3A_91 [0] : vector<64x1024xf32> to vector<1024xf32>
    %broadcast_in_dim3A_93 = vector.shape_cast %reduce_max3A_92 : vector<1024xf32> to vector<1x1024xf32>
    %eq3A_94 = vector.broadcast %broadcast_in_dim3A_93 : vector<1x1024xf32> to vector<64x1024xf32>
    %eq3A_95 = arith.cmpf oeq, %select_n3A_90, %eq3A_94 : vector<64x1024xf32>
    %jit3A_96 = arith.constant 64 : i32
    %broadcast_in_dim3A_97 = vector.broadcast %jit3A_96 : i32 to vector<64x1024xi32>
    %select_n3A_98 = arith.select %eq3A_95, %iota3A, %broadcast_in_dim3A_97 : vector<64x1024xi1>, vector<64x1024xi32>
    %reduce_min3A_99 = arith.constant dense<2147483647> : vector<1024xi32>
    %reduce_min3A_100 = vector.multi_reduction <minsi>, %select_n3A_98, %reduce_min3A_99 [0] : vector<64x1024xi32> to vector<1024xi32>
    %broadcast_in_dim3A_101 = vector.shape_cast %reduce_min3A_100 : vector<1024xi32> to vector<1x1024xi32>
    %eq3A_102 = vector.broadcast %broadcast_in_dim3A_101 : vector<1x1024xi32> to vector<64x1024xi32>
    %eq3A_103 = arith.cmpi eq, %iota3A, %eq3A_102 : vector<64x1024xi32>
    %jit3A_104 = arith.constant 0xFF800000 : f32
    %broadcast_in_dim3A_105 = vector.broadcast %jit3A_104 : f32 to vector<64x1024xf32>
    %select_n3A_106 = arith.select %eq3A_103, %broadcast_in_dim3A_105, %select_n3A_90 : vector<64x1024xi1>, vector<64x1024xf32>
    %reduce_max3A_107 = arith.constant dense<0xFF800000> : vector<1024xf32>
    %reduce_max3A_108 = vector.multi_reduction <maximumf>, %select_n3A_106, %reduce_max3A_107 [0] : vector<64x1024xf32> to vector<1024xf32>
    %broadcast_in_dim3A_109 = vector.shape_cast %reduce_max3A_108 : vector<1024xf32> to vector<1x1024xf32>
    %eq3A_110 = vector.broadcast %broadcast_in_dim3A_109 : vector<1x1024xf32> to vector<64x1024xf32>
    %eq3A_111 = arith.cmpf oeq, %select_n3A_106, %eq3A_110 : vector<64x1024xf32>
    %jit3A_112 = arith.constant 64 : i32
    %broadcast_in_dim3A_113 = vector.broadcast %jit3A_112 : i32 to vector<64x1024xi32>
    %select_n3A_114 = arith.select %eq3A_111, %iota3A, %broadcast_in_dim3A_113 : vector<64x1024xi1>, vector<64x1024xi32>
    %reduce_min3A_115 = arith.constant dense<2147483647> : vector<1024xi32>
    %reduce_min3A_116 = vector.multi_reduction <minsi>, %select_n3A_114, %reduce_min3A_115 [0] : vector<64x1024xi32> to vector<1024xi32>
    %broadcast_in_dim3A_117 = vector.shape_cast %reduce_min3A_116 : vector<1024xi32> to vector<1x1024xi32>
    %eq3A_118 = vector.broadcast %broadcast_in_dim3A_117 : vector<1x1024xi32> to vector<64x1024xi32>
    %eq3A_119 = arith.cmpi eq, %iota3A, %eq3A_118 : vector<64x1024xi32>
    %jit3A_120 = arith.constant 0xFF800000 : f32
    %broadcast_in_dim3A_121 = vector.broadcast %jit3A_120 : f32 to vector<64x1024xf32>
    %select_n3A_122 = arith.select %eq3A_119, %broadcast_in_dim3A_121, %select_n3A_106 : vector<64x1024xi1>, vector<64x1024xf32>
    %reduce_max3A_123 = arith.constant dense<0xFF800000> : vector<1024xf32>
    %reduce_max3A_124 = vector.multi_reduction <maximumf>, %select_n3A_122, %reduce_max3A_123 [0] : vector<64x1024xf32> to vector<1024xf32>
    %broadcast_in_dim3A_125 = vector.shape_cast %reduce_max3A_124 : vector<1024xf32> to vector<1x1024xf32>
    %eq3A_126 = vector.broadcast %broadcast_in_dim3A_125 : vector<1x1024xf32> to vector<64x1024xf32>
    %eq3A_127 = arith.cmpf oeq, %select_n3A_122, %eq3A_126 : vector<64x1024xf32>
    %jit3A_128 = arith.constant 64 : i32
    %broadcast_in_dim3A_129 = vector.broadcast %jit3A_128 : i32 to vector<64x1024xi32>
    %select_n3A_130 = arith.select %eq3A_127, %iota3A, %broadcast_in_dim3A_129 : vector<64x1024xi1>, vector<64x1024xi32>
    %reduce_min3A_131 = arith.constant dense<2147483647> : vector<1024xi32>
    %reduce_min3A_132 = vector.multi_reduction <minsi>, %select_n3A_130, %reduce_min3A_131 [0] : vector<64x1024xi32> to vector<1024xi32>
    %broadcast_in_dim3A_133 = vector.shape_cast %reduce_min3A_132 : vector<1024xi32> to vector<1x1024xi32>
    %eq3A_134 = vector.broadcast %broadcast_in_dim3A_133 : vector<1x1024xi32> to vector<64x1024xi32>
    %eq3A_135 = arith.cmpi eq, %iota3A, %eq3A_134 : vector<64x1024xi32>
    %jit3A_136 = arith.constant 0xFF800000 : f32
    %broadcast_in_dim3A_137 = vector.broadcast %jit3A_136 : f32 to vector<64x1024xf32>
    %select_n3A_138 = arith.select %eq3A_135, %broadcast_in_dim3A_137, %select_n3A_122 : vector<64x1024xi1>, vector<64x1024xf32>
    %reduce_max3A_139 = arith.constant dense<0xFF800000> : vector<1024xf32>
    %reduce_max3A_140 = vector.multi_reduction <maximumf>, %select_n3A_138, %reduce_max3A_139 [0] : vector<64x1024xf32> to vector<1024xf32>
    %broadcast_in_dim3A_141 = vector.shape_cast %reduce_max3A_140 : vector<1024xf32> to vector<1x1024xf32>
    %eq3A_142 = vector.broadcast %broadcast_in_dim3A_141 : vector<1x1024xf32> to vector<64x1024xf32>
    %eq3A_143 = arith.cmpf oeq, %select_n3A_138, %eq3A_142 : vector<64x1024xf32>
    %jit3A_144 = arith.constant 64 : i32
    %broadcast_in_dim3A_145 = vector.broadcast %jit3A_144 : i32 to vector<64x1024xi32>
    %select_n3A_146 = arith.select %eq3A_143, %iota3A, %broadcast_in_dim3A_145 : vector<64x1024xi1>, vector<64x1024xi32>
    %reduce_min3A_147 = arith.constant dense<2147483647> : vector<1024xi32>
    %reduce_min3A_148 = vector.multi_reduction <minsi>, %select_n3A_146, %reduce_min3A_147 [0] : vector<64x1024xi32> to vector<1024xi32>
    %broadcast_in_dim3A_149 = vector.shape_cast %reduce_min3A_148 : vector<1024xi32> to vector<1x1024xi32>
    %concatenate3A = tpu.concatenate %broadcast_in_dim3A_33, %broadcast_in_dim3A_45, %broadcast_in_dim3A_61, %broadcast_in_dim3A_77, %broadcast_in_dim3A_93, %broadcast_in_dim3A_109, %broadcast_in_dim3A_125, %broadcast_in_dim3A_141 in 0 : vector<1x1024xf32>, vector<1x1024xf32>, vector<1x1024xf32>, vector<1x1024xf32>, vector<1x1024xf32>, vector<1x1024xf32>, vector<1x1024xf32>, vector<1x1024xf32> -> vector<8x1024xf32>
    %concatenate3A_150 = tpu.concatenate %broadcast_in_dim3A_37, %broadcast_in_dim3A_53, %broadcast_in_dim3A_69, %broadcast_in_dim3A_85, %broadcast_in_dim3A_101, %broadcast_in_dim3A_117, %broadcast_in_dim3A_133, %broadcast_in_dim3A_149 in 0 : vector<1x1024xi32>, vector<1x1024xi32>, vector<1x1024xi32>, vector<1x1024xi32>, vector<1x1024xi32>, vector<1x1024xi32>, vector<1x1024xi32>, vector<1x1024xi32> -> vector<8x1024xi32>
    %swap3A_151 = arith.constant 0 : index
    %swap3A_152 = arith.constant 0 : index
    %swap3A_153 = arith.constant 0 : index
    %swap3A_154 = vector.load %arg6[%swap3A_151, %swap3A_152, %swap3A_153] : memref<1x8x1024xf32, #tpu.memory_space<vmem>>, vector<1x8x1024xf32>
    %swap3A_155 = vector.shape_cast %swap3A_154 : vector<1x8x1024xf32> to vector<8x1024xf32>
    %swap3A_156 = vector.shape_cast %concatenate3A : vector<8x1024xf32> to vector<1x8x1024xf32>
    tpu.vector_store %arg6[%swap3A_151, %swap3A_152, %swap3A_153], %swap3A_156 {strides = array<i32>} : memref<1x8x1024xf32, #tpu.memory_space<vmem>>, vector<1x8x1024xf32>,
    %swap3A_157 = arith.constant 0 : index
    %swap3A_158 = arith.constant 0 : index
    %swap3A_159 = arith.constant 0 : index
    %swap3A_160 = vector.load %arg7[%swap3A_157, %swap3A_158, %swap3A_159] : memref<1x8x1024xi32, #tpu.memory_space<vmem>>, vector<1x8x1024xi32>
    %swap3A_161 = vector.shape_cast %swap3A_160 : vector<1x8x1024xi32> to vector<8x1024xi32>
    %swap3A_162 = vector.shape_cast %concatenate3A_150 : vector<8x1024xi32> to vector<1x8x1024xi32>
    tpu.vector_store %arg7[%swap3A_157, %swap3A_158, %swap3A_159], %swap3A_162 {strides = array<i32>} : memref<1x8x1024xi32, #tpu.memory_space<vmem>>, vector<1x8x1024xi32>,
    %iota3A_163 = tpu.iota {dimensions = array<i32: 2>} : vector<8x1024x64xi32>
    %broadcast_in_dim3A_164 = vector.shape_cast %concatenate3A_150 : vector<8x1024xi32> to vector<8x1024x1xi32>
    %eq3A_165 = vector.broadcast %broadcast_in_dim3A_164 : vector<8x1024x1xi32> to vector<8x1024x64xi32>
    %eq3A_166 = arith.cmpi eq, %eq3A_165, %iota3A_163 : vector<8x1024x64xi32>
    %convert_element_type3A = arith.extui %eq3A_166 : vector<8x1024x64xi1> to vector<8x1024x64xi32>
    %convert_element_type3A_167 = arith.sitofp %convert_element_type3A : vector<8x1024x64xi32> to vector<8x1024x64xf32>
    %reduce_sum3A_168 = arith.constant dense<0.000000e+00> : vector<8x64xf32>
    %reduce_sum3A_169 = vector.multi_reduction <add>, %convert_element_type3A_167, %reduce_sum3A_168 [1] : vector<8x1024x64xf32> to vector<8x64xf32>
    %reduce_sum3A_170 = arith.constant dense<0.000000e+00> : vector<64xf32>
    %reduce_sum3A_171 = vector.multi_reduction <add>, %reduce_sum3A_169, %reduce_sum3A_170 [0] : vector<8x64xf32> to vector<64xf32>
    %reduce_sum3A_172 = arith.constant dense<0.000000e+00> : vector<64xf32>
    %reduce_sum3A_173 = vector.multi_reduction <add>, %div3A_18, %reduce_sum3A_172 [1] : vector<64x1024xf32> to vector<64xf32>
    %iota3A_174 = tpu.iota {dimensions = array<i32: 1>} : vector<1x64xi32>
    %eq3A_175 = arith.constant 0 : i32
    %eq3A_176 = vector.broadcast %eq3A_175 : i32 to vector<1x64xi32>
    %eq3A_177 = arith.cmpi eq, %iota3A_174, %eq3A_176 : vector<1x64xi32>
    %jit3A_178 = arith.constant 0.000000e+00 : f32
    %broadcast_in_dim3A_179 = vector.broadcast %reduce_sum3A_30 : f32 to vector<1x64xf32>
    %broadcast_in_dim3A_180 = vector.broadcast %jit3A_178 : f32 to vector<1x64xf32>
    %select_n3A_181 = arith.select %eq3A_177, %broadcast_in_dim3A_179, %broadcast_in_dim3A_180 : vector<1x64xi1>, vector<1x64xf32>
    %broadcast_in_dim3A_182 = vector.shape_cast %reduce_sum3A_171 : vector<64xf32> to vector<1x64xf32>
    %broadcast_in_dim3A_183 = vector.shape_cast %reduce_sum3A_173 : vector<64xf32> to vector<1x64xf32>
    %broadcast_in_dim3A_184 = arith.constant 0.000000e+00 : f32
    %broadcast_in_dim3A_185 = vector.broadcast %broadcast_in_dim3A_184 : f32 to vector<5x64xf32>
    %concatenate3A_186 = tpu.concatenate %broadcast_in_dim3A_182, %broadcast_in_dim3A_183, %select_n3A_181, %reduce_sum3A_169, %broadcast_in_dim3A_185 in 0 : vector<1x64xf32>, vector<1x64xf32>, vector<1x64xf32>, vector<8x64xf32>, vector<5x64xf32> -> vector<16x64xf32>
    %eq3A_187 = arith.constant 0 : i32
    %eq3A_188 = arith.cmpi eq, %arg1, %eq3A_187 : i32
    %convert_element_type3A_189 = arith.extui %eq3A_188 : i1 to i32
    %cond3A = arith.constant 0 : i32
    %cond3A_190 = arith.cmpi ne, %convert_element_type3A_189, %cond3A : i32
    scf.if %cond3A_190 {
      %swap3A_195 = arith.constant 0 : index
      %swap3A_196 = arith.constant 0 : index
      %swap3A_197 = arith.constant 0 : index
      %swap3A_198 = vector.load %arg8[%swap3A_195, %swap3A_196, %swap3A_197] : memref<1x16x64xf32, #tpu.memory_space<vmem>>, vector<1x16x64xf32>
      %swap3A_199 = vector.shape_cast %swap3A_198 : vector<1x16x64xf32> to vector<16x64xf32>
      %swap3A_200 = vector.shape_cast %concatenate3A_186 : vector<16x64xf32> to vector<1x16x64xf32>
      tpu.vector_store %arg8[%swap3A_195, %swap3A_196, %swap3A_197], %swap3A_200 {strides = array<i32>} : memref<1x16x64xf32, #tpu.memory_space<vmem>>, vector<1x16x64xf32>,
    } else {
    }
    %ne3A = arith.constant 0 : i32
    %ne3A_191 = arith.cmpi ne, %arg1, %ne3A : i32
    %convert_element_type3A_192 = arith.extui %ne3A_191 : i1 to i32
    %cond3A_193 = arith.constant 0 : i32
    %cond3A_194 = arith.cmpi ne, %convert_element_type3A_192, %cond3A_193 : i32
    scf.if %cond3A_194 {
      %get3A_195 = arith.constant 0 : index
      %get3A_196 = arith.constant 0 : index
      %get3A_197 = arith.constant 0 : index
      %get3A_198 = vector.load %arg8[%get3A_195, %get3A_196, %get3A_197] : memref<1x16x64xf32, #tpu.memory_space<vmem>>, vector<1x16x64xf32>
      %get3A_199 = vector.shape_cast %get3A_198 : vector<1x16x64xf32> to vector<16x64xf32>
      %add3A_200 = arith.addf %get3A_199, %concatenate3A_186 : vector<16x64xf32>
      %swap3A_201 = arith.constant 0 : index
      %swap3A_202 = arith.constant 0 : index
      %swap3A_203 = arith.constant 0 : index
      %swap3A_204 = vector.load %arg8[%swap3A_201, %swap3A_202, %swap3A_203] : memref<1x16x64xf32, #tpu.memory_space<vmem>>, vector<1x16x64xf32>
      %swap3A_205 = vector.shape_cast %swap3A_204 : vector<1x16x64xf32> to vector<16x64xf32>
      %swap3A_206 = vector.shape_cast %add3A_200 : vector<16x64xf32> to vector<1x16x64xf32>
      tpu.vector_store %arg8[%swap3A_201, %swap3A_202, %swap3A_203], %swap3A_206 {strides = array<i32>} : memref<1x16x64xf32, #tpu.memory_space<vmem>>, vector<1x16x64xf32>,
    } else {
    }
    return
  }
  func.func @transform_0(%arg0: i32, %arg1: i32) -> (i32, i32, i32) {
    %c0_i32 = arith.constant 0 : i32
    %c0_i32_0 = arith.constant 0 : i32
    return %arg0, %arg1, %c0_i32 : i32, i32, i32
  }
  func.func @transform_1(%arg0: i32, %arg1: i32) -> (i32, i32) {
    %c0_i32 = arith.constant 0 : i32
    %c0_i32_0 = arith.constant 0 : i32
    %c0_i32_1 = arith.constant 0 : i32
    return %c0_i32, %c0_i32_0 : i32, i32
  }
  func.func @transform_2(%arg0: i32, %arg1: i32) -> (i32, i32) {
    %c0_i32 = arith.constant 0 : i32
    %c0_i32_0 = arith.constant 0 : i32
    %c0_i32_1 = arith.constant 0 : i32
    return %c0_i32, %c0_i32_0 : i32, i32
  }
  func.func @transform_3(%arg0: i32, %arg1: i32) -> (i32, i32, i32) {
    %c0_i32 = arith.constant 0 : i32
    %c0_i32_0 = arith.constant 0 : i32
    return %arg0, %arg1, %c0_i32 : i32, i32, i32
  }
  func.func @transform_4(%arg0: i32, %arg1: i32) -> (i32, i32, i32) {
    %c0_i32 = arith.constant 0 : i32
    %c0_i32_0 = arith.constant 0 : i32
    return %arg0, %c0_i32, %arg1 : i32, i32, i32
  }
  func.func @transform_5(%arg0: i32, %arg1: i32) -> (i32, i32, i32) {
    %c0_i32 = arith.constant 0 : i32
    %c0_i32_0 = arith.constant 0 : i32
    return %arg0, %c0_i32, %arg1 : i32, i32, i32
  }
  func.func @transform_6(%arg0: i32, %arg1: i32) -> (i32, i32, i32) {
    %c0_i32 = arith.constant 0 : i32
    %c0_i32_0 = arith.constant 0 : i32
    %c0_i32_1 = arith.constant 0 : i32
    return %arg0, %c0_i32, %c0_i32_0 : i32, i32, i32
  }
}

module attributes {stable_mosaic.version = 14 : i64} {
  func.func @_rank_block(%arg0: i32, %arg1: i32, %arg2: memref<1x1x8192xf32, #tpu.memory_space<vmem>>, %arg3: memref<1x1x8192xi32, #tpu.memory_space<vmem>>, %arg4: memref<1x8192xf32, #tpu.memory_space<vmem>>, %arg5: memref<512x512xf32, #tpu.memory_space<vmem>>) attributes {dimension_semantics = [#tpu.dimension_semantics<arbitrary>, #tpu.dimension_semantics<arbitrary>], iteration_bounds = array<i64: 2, 16>, scalar_prefetch = 0 : i64, scratch_operands = 2 : i64, tpu.core_type = #tpu.core_type<tc>, window_params = [{transform_indices = @transform_0, window_bounds = array<i64: 1, 1, 8192>}, {transform_indices = @transform_1, window_bounds = array<i64: 1, 1, 8192>}]} {
    %eq3A = arith.constant 0 : i32
    %eq3A_0 = arith.cmpi eq, %arg1, %eq3A : i32
    %convert_element_type3A = arith.extui %eq3A_0 : i1 to i32
    %cond3A = arith.constant 0 : i32
    %cond3A_1 = arith.cmpi ne, %convert_element_type3A, %cond3A : i32
    scf.if %cond3A_1 {
      %broadcast_in_dim3A = arith.constant 0.000000e+00 : f32
      %broadcast_in_dim3A_115 = vector.broadcast %broadcast_in_dim3A : f32 to vector<1x8192xf32>
      %swap3A_116 = arith.constant 0 : index
      %swap3A_117 = arith.constant 0 : index
      %swap3A_118 = vector.load %arg4[%swap3A_116, %swap3A_117] : memref<1x8192xf32, #tpu.memory_space<vmem>>, vector<1x8192xf32>
      tpu.vector_store %arg4[%swap3A_116, %swap3A_117], %broadcast_in_dim3A_115 {strides = array<i32>} : memref<1x8192xf32, #tpu.memory_space<vmem>>, vector<1x8192xf32>,
    } else {
    }
    %mul3A = arith.constant 512 : i32
    %mul3A_2 = arith.muli %arg1, %mul3A : i32
    %get3A = arith.constant 0 : index
    %get3A_3 = arith.constant 0 : index
    %get3A_4 = arith.index_cast %mul3A_2 : i32 to index
    %get3A_5 = vector.load %arg2[%get3A, %get3A_3, %get3A_4] : memref<1x1x8192xf32, #tpu.memory_space<vmem>>, vector<1x1x512xf32>
    %get3A_6 = vector.shape_cast %get3A_5 : vector<1x1x512xf32> to vector<512xf32>
    %reshape3A = vector.shape_cast %get3A_6 : vector<512xf32> to vector<512x1xf32>
    %reshape3A_7 = vector.shape_cast %reshape3A : vector<512x1xf32> to vector<1x512xf32>
    %iota3A = tpu.iota {dimensions = array<i32: 0>} : vector<512x512xi32>
    %iota3A_8 = tpu.iota {dimensions = array<i32: 1>} : vector<512x512xi32>
    %gt3A = vector.broadcast %reshape3A_7 : vector<1x512xf32> to vector<512x512xf32>
    %gt3A_9 = vector.broadcast %reshape3A : vector<512x1xf32> to vector<512x512xf32>
    %gt3A_10 = arith.cmpf ogt, %gt3A, %gt3A_9 : vector<512x512xf32>
    %eq3A_11 = vector.broadcast %reshape3A_7 : vector<1x512xf32> to vector<512x512xf32>
    %eq3A_12 = vector.broadcast %reshape3A : vector<512x1xf32> to vector<512x512xf32>
    %eq3A_13 = arith.cmpf oeq, %eq3A_11, %eq3A_12 : vector<512x512xf32>
    %lt3A = arith.cmpi slt, %iota3A_8, %iota3A : vector<512x512xi32>
    %and3A = arith.andi %eq3A_13, %lt3A : vector<512x512xi1>
    %or3A = arith.ori %gt3A_10, %and3A : vector<512x512xi1>
    %convert_element_type3A_14 = arith.extui %or3A : vector<512x512xi1> to vector<512x512xi32>
    %convert_element_type3A_15 = arith.sitofp %convert_element_type3A_14 : vector<512x512xi32> to vector<512x512xf32>
    %swap3A = arith.constant 0 : index
    %swap3A_16 = arith.constant 0 : index
    %swap3A_17 = vector.load %arg5[%swap3A, %swap3A_16] : memref<512x512xf32, #tpu.memory_space<vmem>>, vector<512x512xf32>
    tpu.vector_store %arg5[%swap3A, %swap3A_16], %convert_element_type3A_15 {strides = array<i32>} : memref<512x512xf32, #tpu.memory_space<vmem>>, vector<512x512xf32>,
    %lt3A_18 = arith.constant 1 : i32
    %lt3A_19 = arith.cmpi slt, %arg1, %lt3A_18 : i32
    %convert_element_type3A_20 = arith.extui %lt3A_19 : i1 to i32
    %cond3A_21 = arith.constant 0 : i32
    %cond3A_22 = arith.cmpi ne, %convert_element_type3A_20, %cond3A_21 : i32
    scf.if %cond3A_22 {
      %get3A_115 = arith.constant 0 : index
      %get3A_116 = arith.constant 0 : index
      %get3A_117 = arith.constant 512 : index
      %get3A_118 = vector.load %arg2[%get3A_115, %get3A_116, %get3A_117] : memref<1x1x8192xf32, #tpu.memory_space<vmem>>, vector<1x1x512xf32>
      %get3A_119 = vector.shape_cast %get3A_118 : vector<1x1x512xf32> to vector<512xf32>
      %reshape3A_120 = vector.shape_cast %get3A_119 : vector<512xf32> to vector<1x512xf32>
      %gt3A_121 = vector.broadcast %reshape3A_120 : vector<1x512xf32> to vector<512x512xf32>
      %gt3A_122 = vector.broadcast %reshape3A : vector<512x1xf32> to vector<512x512xf32>
      %gt3A_123 = arith.cmpf ogt, %gt3A_121, %gt3A_122 : vector<512x512xf32>
      %convert_element_type3A_124 = arith.extui %gt3A_123 : vector<512x512xi1> to vector<512x512xi32>
      %convert_element_type3A_125 = arith.sitofp %convert_element_type3A_124 : vector<512x512xi32> to vector<512x512xf32>
      %get3A_126 = arith.constant 0 : index
      %get3A_127 = arith.constant 512 : index
      %get3A_128 = vector.load %arg4[%get3A_126, %get3A_127] : memref<1x8192xf32, #tpu.memory_space<vmem>>, vector<1x512xf32>
      %get3A_129 = vector.shape_cast %get3A_128 : vector<1x512xf32> to vector<512xf32>
      %reduce_sum3A_130 = arith.constant dense<0.000000e+00> : vector<512xf32>
      %reduce_sum3A_131 = vector.multi_reduction <add>, %convert_element_type3A_125, %reduce_sum3A_130 [0] : vector<512x512xf32> to vector<512xf32>
      %sub3A = arith.constant 5.120000e+02 : f32
      %sub3A_132 = vector.broadcast %sub3A : f32 to vector<512xf32>
      %sub3A_133 = arith.subf %sub3A_132, %reduce_sum3A_131 : vector<512xf32>
      %add3A_134 = arith.addf %get3A_129, %sub3A_133 : vector<512xf32>
      %swap3A_135 = arith.constant 0 : index
      %swap3A_136 = arith.constant 512 : index
      %swap3A_137 = vector.load %arg4[%swap3A_135, %swap3A_136] : memref<1x8192xf32, #tpu.memory_space<vmem>>, vector<1x512xf32>
      %swap3A_138 = vector.shape_cast %swap3A_137 : vector<1x512xf32> to vector<512xf32>
      %swap3A_139 = vector.shape_cast %add3A_134 : vector<512xf32> to vector<1x512xf32>
      tpu.vector_store %arg4[%swap3A_135, %swap3A_136], %swap3A_139 {strides = array<i32>} : memref<1x8192xf32, #tpu.memory_space<vmem>>, vector<1x512xf32>,
      %get3A_140 = arith.constant 0 : index
      %get3A_141 = arith.constant 0 : index
      %get3A_142 = vector.load %arg5[%get3A_140, %get3A_141] : memref<512x512xf32, #tpu.memory_space<vmem>>, vector<512x512xf32>
      %add3A_143 = arith.addf %get3A_142, %convert_element_type3A_125 : vector<512x512xf32>
      %swap3A_144 = arith.constant 0 : index
      %swap3A_145 = arith.constant 0 : index
      %swap3A_146 = vector.load %arg5[%swap3A_144, %swap3A_145] : memref<512x512xf32, #tpu.memory_space<vmem>>, vector<512x512xf32>
      tpu.vector_store %arg5[%swap3A_144, %swap3A_145], %add3A_143 {strides = array<i32>} : memref<512x512xf32, #tpu.memory_space<vmem>>, vector<512x512xf32>,
    } else {
    }
    %lt3A_23 = arith.constant 2 : i32
    %lt3A_24 = arith.cmpi slt, %arg1, %lt3A_23 : i32
    %convert_element_type3A_25 = arith.extui %lt3A_24 : i1 to i32
    %cond3A_26 = arith.constant 0 : i32
    %cond3A_27 = arith.cmpi ne, %convert_element_type3A_25, %cond3A_26 : i32
    scf.if %cond3A_27 {
      %get3A_115 = arith.constant 0 : index
      %get3A_116 = arith.constant 0 : index
      %get3A_117 = arith.constant 1024 : index
      %get3A_118 = vector.load %arg2[%get3A_115, %get3A_116, %get3A_117] : memref<1x1x8192xf32, #tpu.memory_space<vmem>>, vector<1x1x512xf32>
      %get3A_119 = vector.shape_cast %get3A_118 : vector<1x1x512xf32> to vector<512xf32>
      %reshape3A_120 = vector.shape_cast %get3A_119 : vector<512xf32> to vector<1x512xf32>
      %gt3A_121 = vector.broadcast %reshape3A_120 : vector<1x512xf32> to vector<512x512xf32>
      %gt3A_122 = vector.broadcast %reshape3A : vector<512x1xf32> to vector<512x512xf32>
      %gt3A_123 = arith.cmpf ogt, %gt3A_121, %gt3A_122 : vector<512x512xf32>
      %convert_element_type3A_124 = arith.extui %gt3A_123 : vector<512x512xi1> to vector<512x512xi32>
      %convert_element_type3A_125 = arith.sitofp %convert_element_type3A_124 : vector<512x512xi32> to vector<512x512xf32>
      %get3A_126 = arith.constant 0 : index
      %get3A_127 = arith.constant 1024 : index
      %get3A_128 = vector.load %arg4[%get3A_126, %get3A_127] : memref<1x8192xf32, #tpu.memory_space<vmem>>, vector<1x512xf32>
      %get3A_129 = vector.shape_cast %get3A_128 : vector<1x512xf32> to vector<512xf32>
      %reduce_sum3A_130 = arith.constant dense<0.000000e+00> : vector<512xf32>
      %reduce_sum3A_131 = vector.multi_reduction <add>, %convert_element_type3A_125, %reduce_sum3A_130 [0] : vector<512x512xf32> to vector<512xf32>
      %sub3A = arith.constant 5.120000e+02 : f32
      %sub3A_132 = vector.broadcast %sub3A : f32 to vector<512xf32>
      %sub3A_133 = arith.subf %sub3A_132, %reduce_sum3A_131 : vector<512xf32>
      %add3A_134 = arith.addf %get3A_129, %sub3A_133 : vector<512xf32>
      %swap3A_135 = arith.constant 0 : index
      %swap3A_136 = arith.constant 1024 : index
      %swap3A_137 = vector.load %arg4[%swap3A_135, %swap3A_136] : memref<1x8192xf32, #tpu.memory_space<vmem>>, vector<1x512xf32>
      %swap3A_138 = vector.shape_cast %swap3A_137 : vector<1x512xf32> to vector<512xf32>
      %swap3A_139 = vector.shape_cast %add3A_134 : vector<512xf32> to vector<1x512xf32>
      tpu.vector_store %arg4[%swap3A_135, %swap3A_136], %swap3A_139 {strides = array<i32>} : memref<1x8192xf32, #tpu.memory_space<vmem>>, vector<1x512xf32>,
      %get3A_140 = arith.constant 0 : index
      %get3A_141 = arith.constant 0 : index
      %get3A_142 = vector.load %arg5[%get3A_140, %get3A_141] : memref<512x512xf32, #tpu.memory_space<vmem>>, vector<512x512xf32>
      %add3A_143 = arith.addf %get3A_142, %convert_element_type3A_125 : vector<512x512xf32>
      %swap3A_144 = arith.constant 0 : index
      %swap3A_145 = arith.constant 0 : index
      %swap3A_146 = vector.load %arg5[%swap3A_144, %swap3A_145] : memref<512x512xf32, #tpu.memory_space<vmem>>, vector<512x512xf32>
      tpu.vector_store %arg5[%swap3A_144, %swap3A_145], %add3A_143 {strides = array<i32>} : memref<512x512xf32, #tpu.memory_space<vmem>>, vector<512x512xf32>,
    } else {
    }
    %lt3A_28 = arith.constant 3 : i32
    %lt3A_29 = arith.cmpi slt, %arg1, %lt3A_28 : i32
    %convert_element_type3A_30 = arith.extui %lt3A_29 : i1 to i32
    %cond3A_31 = arith.constant 0 : i32
    %cond3A_32 = arith.cmpi ne, %convert_element_type3A_30, %cond3A_31 : i32
    scf.if %cond3A_32 {
      %get3A_115 = arith.constant 0 : index
      %get3A_116 = arith.constant 0 : index
      %get3A_117 = arith.constant 1536 : index
      %get3A_118 = vector.load %arg2[%get3A_115, %get3A_116, %get3A_117] : memref<1x1x8192xf32, #tpu.memory_space<vmem>>, vector<1x1x512xf32>
      %get3A_119 = vector.shape_cast %get3A_118 : vector<1x1x512xf32> to vector<512xf32>
      %reshape3A_120 = vector.shape_cast %get3A_119 : vector<512xf32> to vector<1x512xf32>
      %gt3A_121 = vector.broadcast %reshape3A_120 : vector<1x512xf32> to vector<512x512xf32>
      %gt3A_122 = vector.broadcast %reshape3A : vector<512x1xf32> to vector<512x512xf32>
      %gt3A_123 = arith.cmpf ogt, %gt3A_121, %gt3A_122 : vector<512x512xf32>
      %convert_element_type3A_124 = arith.extui %gt3A_123 : vector<512x512xi1> to vector<512x512xi32>
      %convert_element_type3A_125 = arith.sitofp %convert_element_type3A_124 : vector<512x512xi32> to vector<512x512xf32>
      %get3A_126 = arith.constant 0 : index
      %get3A_127 = arith.constant 1536 : index
      %get3A_128 = vector.load %arg4[%get3A_126, %get3A_127] : memref<1x8192xf32, #tpu.memory_space<vmem>>, vector<1x512xf32>
      %get3A_129 = vector.shape_cast %get3A_128 : vector<1x512xf32> to vector<512xf32>
      %reduce_sum3A_130 = arith.constant dense<0.000000e+00> : vector<512xf32>
      %reduce_sum3A_131 = vector.multi_reduction <add>, %convert_element_type3A_125, %reduce_sum3A_130 [0] : vector<512x512xf32> to vector<512xf32>
      %sub3A = arith.constant 5.120000e+02 : f32
      %sub3A_132 = vector.broadcast %sub3A : f32 to vector<512xf32>
      %sub3A_133 = arith.subf %sub3A_132, %reduce_sum3A_131 : vector<512xf32>
      %add3A_134 = arith.addf %get3A_129, %sub3A_133 : vector<512xf32>
      %swap3A_135 = arith.constant 0 : index
      %swap3A_136 = arith.constant 1536 : index
      %swap3A_137 = vector.load %arg4[%swap3A_135, %swap3A_136] : memref<1x8192xf32, #tpu.memory_space<vmem>>, vector<1x512xf32>
      %swap3A_138 = vector.shape_cast %swap3A_137 : vector<1x512xf32> to vector<512xf32>
      %swap3A_139 = vector.shape_cast %add3A_134 : vector<512xf32> to vector<1x512xf32>
      tpu.vector_store %arg4[%swap3A_135, %swap3A_136], %swap3A_139 {strides = array<i32>} : memref<1x8192xf32, #tpu.memory_space<vmem>>, vector<1x512xf32>,
      %get3A_140 = arith.constant 0 : index
      %get3A_141 = arith.constant 0 : index
      %get3A_142 = vector.load %arg5[%get3A_140, %get3A_141] : memref<512x512xf32, #tpu.memory_space<vmem>>, vector<512x512xf32>
      %add3A_143 = arith.addf %get3A_142, %convert_element_type3A_125 : vector<512x512xf32>
      %swap3A_144 = arith.constant 0 : index
      %swap3A_145 = arith.constant 0 : index
      %swap3A_146 = vector.load %arg5[%swap3A_144, %swap3A_145] : memref<512x512xf32, #tpu.memory_space<vmem>>, vector<512x512xf32>
      tpu.vector_store %arg5[%swap3A_144, %swap3A_145], %add3A_143 {strides = array<i32>} : memref<512x512xf32, #tpu.memory_space<vmem>>, vector<512x512xf32>,
    } else {
    }
    %lt3A_33 = arith.constant 4 : i32
    %lt3A_34 = arith.cmpi slt, %arg1, %lt3A_33 : i32
    %convert_element_type3A_35 = arith.extui %lt3A_34 : i1 to i32
    %cond3A_36 = arith.constant 0 : i32
    %cond3A_37 = arith.cmpi ne, %convert_element_type3A_35, %cond3A_36 : i32
    scf.if %cond3A_37 {
      %get3A_115 = arith.constant 0 : index
      %get3A_116 = arith.constant 0 : index
      %get3A_117 = arith.constant 2048 : index
      %get3A_118 = vector.load %arg2[%get3A_115, %get3A_116, %get3A_117] : memref<1x1x8192xf32, #tpu.memory_space<vmem>>, vector<1x1x512xf32>
      %get3A_119 = vector.shape_cast %get3A_118 : vector<1x1x512xf32> to vector<512xf32>
      %reshape3A_120 = vector.shape_cast %get3A_119 : vector<512xf32> to vector<1x512xf32>
      %gt3A_121 = vector.broadcast %reshape3A_120 : vector<1x512xf32> to vector<512x512xf32>
      %gt3A_122 = vector.broadcast %reshape3A : vector<512x1xf32> to vector<512x512xf32>
      %gt3A_123 = arith.cmpf ogt, %gt3A_121, %gt3A_122 : vector<512x512xf32>
      %convert_element_type3A_124 = arith.extui %gt3A_123 : vector<512x512xi1> to vector<512x512xi32>
      %convert_element_type3A_125 = arith.sitofp %convert_element_type3A_124 : vector<512x512xi32> to vector<512x512xf32>
      %get3A_126 = arith.constant 0 : index
      %get3A_127 = arith.constant 2048 : index
      %get3A_128 = vector.load %arg4[%get3A_126, %get3A_127] : memref<1x8192xf32, #tpu.memory_space<vmem>>, vector<1x512xf32>
      %get3A_129 = vector.shape_cast %get3A_128 : vector<1x512xf32> to vector<512xf32>
      %reduce_sum3A_130 = arith.constant dense<0.000000e+00> : vector<512xf32>
      %reduce_sum3A_131 = vector.multi_reduction <add>, %convert_element_type3A_125, %reduce_sum3A_130 [0] : vector<512x512xf32> to vector<512xf32>
      %sub3A = arith.constant 5.120000e+02 : f32
      %sub3A_132 = vector.broadcast %sub3A : f32 to vector<512xf32>
      %sub3A_133 = arith.subf %sub3A_132, %reduce_sum3A_131 : vector<512xf32>
      %add3A_134 = arith.addf %get3A_129, %sub3A_133 : vector<512xf32>
      %swap3A_135 = arith.constant 0 : index
      %swap3A_136 = arith.constant 2048 : index
      %swap3A_137 = vector.load %arg4[%swap3A_135, %swap3A_136] : memref<1x8192xf32, #tpu.memory_space<vmem>>, vector<1x512xf32>
      %swap3A_138 = vector.shape_cast %swap3A_137 : vector<1x512xf32> to vector<512xf32>
      %swap3A_139 = vector.shape_cast %add3A_134 : vector<512xf32> to vector<1x512xf32>
      tpu.vector_store %arg4[%swap3A_135, %swap3A_136], %swap3A_139 {strides = array<i32>} : memref<1x8192xf32, #tpu.memory_space<vmem>>, vector<1x512xf32>,
      %get3A_140 = arith.constant 0 : index
      %get3A_141 = arith.constant 0 : index
      %get3A_142 = vector.load %arg5[%get3A_140, %get3A_141] : memref<512x512xf32, #tpu.memory_space<vmem>>, vector<512x512xf32>
      %add3A_143 = arith.addf %get3A_142, %convert_element_type3A_125 : vector<512x512xf32>
      %swap3A_144 = arith.constant 0 : index
      %swap3A_145 = arith.constant 0 : index
      %swap3A_146 = vector.load %arg5[%swap3A_144, %swap3A_145] : memref<512x512xf32, #tpu.memory_space<vmem>>, vector<512x512xf32>
      tpu.vector_store %arg5[%swap3A_144, %swap3A_145], %add3A_143 {strides = array<i32>} : memref<512x512xf32, #tpu.memory_space<vmem>>, vector<512x512xf32>,
    } else {
    }
    %lt3A_38 = arith.constant 5 : i32
    %lt3A_39 = arith.cmpi slt, %arg1, %lt3A_38 : i32
    %convert_element_type3A_40 = arith.extui %lt3A_39 : i1 to i32
    %cond3A_41 = arith.constant 0 : i32
    %cond3A_42 = arith.cmpi ne, %convert_element_type3A_40, %cond3A_41 : i32
    scf.if %cond3A_42 {
      %get3A_115 = arith.constant 0 : index
      %get3A_116 = arith.constant 0 : index
      %get3A_117 = arith.constant 2560 : index
      %get3A_118 = vector.load %arg2[%get3A_115, %get3A_116, %get3A_117] : memref<1x1x8192xf32, #tpu.memory_space<vmem>>, vector<1x1x512xf32>
      %get3A_119 = vector.shape_cast %get3A_118 : vector<1x1x512xf32> to vector<512xf32>
      %reshape3A_120 = vector.shape_cast %get3A_119 : vector<512xf32> to vector<1x512xf32>
      %gt3A_121 = vector.broadcast %reshape3A_120 : vector<1x512xf32> to vector<512x512xf32>
      %gt3A_122 = vector.broadcast %reshape3A : vector<512x1xf32> to vector<512x512xf32>
      %gt3A_123 = arith.cmpf ogt, %gt3A_121, %gt3A_122 : vector<512x512xf32>
      %convert_element_type3A_124 = arith.extui %gt3A_123 : vector<512x512xi1> to vector<512x512xi32>
      %convert_element_type3A_125 = arith.sitofp %convert_element_type3A_124 : vector<512x512xi32> to vector<512x512xf32>
      %get3A_126 = arith.constant 0 : index
      %get3A_127 = arith.constant 2560 : index
      %get3A_128 = vector.load %arg4[%get3A_126, %get3A_127] : memref<1x8192xf32, #tpu.memory_space<vmem>>, vector<1x512xf32>
      %get3A_129 = vector.shape_cast %get3A_128 : vector<1x512xf32> to vector<512xf32>
      %reduce_sum3A_130 = arith.constant dense<0.000000e+00> : vector<512xf32>
      %reduce_sum3A_131 = vector.multi_reduction <add>, %convert_element_type3A_125, %reduce_sum3A_130 [0] : vector<512x512xf32> to vector<512xf32>
      %sub3A = arith.constant 5.120000e+02 : f32
      %sub3A_132 = vector.broadcast %sub3A : f32 to vector<512xf32>
      %sub3A_133 = arith.subf %sub3A_132, %reduce_sum3A_131 : vector<512xf32>
      %add3A_134 = arith.addf %get3A_129, %sub3A_133 : vector<512xf32>
      %swap3A_135 = arith.constant 0 : index
      %swap3A_136 = arith.constant 2560 : index
      %swap3A_137 = vector.load %arg4[%swap3A_135, %swap3A_136] : memref<1x8192xf32, #tpu.memory_space<vmem>>, vector<1x512xf32>
      %swap3A_138 = vector.shape_cast %swap3A_137 : vector<1x512xf32> to vector<512xf32>
      %swap3A_139 = vector.shape_cast %add3A_134 : vector<512xf32> to vector<1x512xf32>
      tpu.vector_store %arg4[%swap3A_135, %swap3A_136], %swap3A_139 {strides = array<i32>} : memref<1x8192xf32, #tpu.memory_space<vmem>>, vector<1x512xf32>,
      %get3A_140 = arith.constant 0 : index
      %get3A_141 = arith.constant 0 : index
      %get3A_142 = vector.load %arg5[%get3A_140, %get3A_141] : memref<512x512xf32, #tpu.memory_space<vmem>>, vector<512x512xf32>
      %add3A_143 = arith.addf %get3A_142, %convert_element_type3A_125 : vector<512x512xf32>
      %swap3A_144 = arith.constant 0 : index
      %swap3A_145 = arith.constant 0 : index
      %swap3A_146 = vector.load %arg5[%swap3A_144, %swap3A_145] : memref<512x512xf32, #tpu.memory_space<vmem>>, vector<512x512xf32>
      tpu.vector_store %arg5[%swap3A_144, %swap3A_145], %add3A_143 {strides = array<i32>} : memref<512x512xf32, #tpu.memory_space<vmem>>, vector<512x512xf32>,
    } else {
    }
    %lt3A_43 = arith.constant 6 : i32
    %lt3A_44 = arith.cmpi slt, %arg1, %lt3A_43 : i32
    %convert_element_type3A_45 = arith.extui %lt3A_44 : i1 to i32
    %cond3A_46 = arith.constant 0 : i32
    %cond3A_47 = arith.cmpi ne, %convert_element_type3A_45, %cond3A_46 : i32
    scf.if %cond3A_47 {
      %get3A_115 = arith.constant 0 : index
      %get3A_116 = arith.constant 0 : index
      %get3A_117 = arith.constant 3072 : index
      %get3A_118 = vector.load %arg2[%get3A_115, %get3A_116, %get3A_117] : memref<1x1x8192xf32, #tpu.memory_space<vmem>>, vector<1x1x512xf32>
      %get3A_119 = vector.shape_cast %get3A_118 : vector<1x1x512xf32> to vector<512xf32>
      %reshape3A_120 = vector.shape_cast %get3A_119 : vector<512xf32> to vector<1x512xf32>
      %gt3A_121 = vector.broadcast %reshape3A_120 : vector<1x512xf32> to vector<512x512xf32>
      %gt3A_122 = vector.broadcast %reshape3A : vector<512x1xf32> to vector<512x512xf32>
      %gt3A_123 = arith.cmpf ogt, %gt3A_121, %gt3A_122 : vector<512x512xf32>
      %convert_element_type3A_124 = arith.extui %gt3A_123 : vector<512x512xi1> to vector<512x512xi32>
      %convert_element_type3A_125 = arith.sitofp %convert_element_type3A_124 : vector<512x512xi32> to vector<512x512xf32>
      %get3A_126 = arith.constant 0 : index
      %get3A_127 = arith.constant 3072 : index
      %get3A_128 = vector.load %arg4[%get3A_126, %get3A_127] : memref<1x8192xf32, #tpu.memory_space<vmem>>, vector<1x512xf32>
      %get3A_129 = vector.shape_cast %get3A_128 : vector<1x512xf32> to vector<512xf32>
      %reduce_sum3A_130 = arith.constant dense<0.000000e+00> : vector<512xf32>
      %reduce_sum3A_131 = vector.multi_reduction <add>, %convert_element_type3A_125, %reduce_sum3A_130 [0] : vector<512x512xf32> to vector<512xf32>
      %sub3A = arith.constant 5.120000e+02 : f32
      %sub3A_132 = vector.broadcast %sub3A : f32 to vector<512xf32>
      %sub3A_133 = arith.subf %sub3A_132, %reduce_sum3A_131 : vector<512xf32>
      %add3A_134 = arith.addf %get3A_129, %sub3A_133 : vector<512xf32>
      %swap3A_135 = arith.constant 0 : index
      %swap3A_136 = arith.constant 3072 : index
      %swap3A_137 = vector.load %arg4[%swap3A_135, %swap3A_136] : memref<1x8192xf32, #tpu.memory_space<vmem>>, vector<1x512xf32>
      %swap3A_138 = vector.shape_cast %swap3A_137 : vector<1x512xf32> to vector<512xf32>
      %swap3A_139 = vector.shape_cast %add3A_134 : vector<512xf32> to vector<1x512xf32>
      tpu.vector_store %arg4[%swap3A_135, %swap3A_136], %swap3A_139 {strides = array<i32>} : memref<1x8192xf32, #tpu.memory_space<vmem>>, vector<1x512xf32>,
      %get3A_140 = arith.constant 0 : index
      %get3A_141 = arith.constant 0 : index
      %get3A_142 = vector.load %arg5[%get3A_140, %get3A_141] : memref<512x512xf32, #tpu.memory_space<vmem>>, vector<512x512xf32>
      %add3A_143 = arith.addf %get3A_142, %convert_element_type3A_125 : vector<512x512xf32>
      %swap3A_144 = arith.constant 0 : index
      %swap3A_145 = arith.constant 0 : index
      %swap3A_146 = vector.load %arg5[%swap3A_144, %swap3A_145] : memref<512x512xf32, #tpu.memory_space<vmem>>, vector<512x512xf32>
      tpu.vector_store %arg5[%swap3A_144, %swap3A_145], %add3A_143 {strides = array<i32>} : memref<512x512xf32, #tpu.memory_space<vmem>>, vector<512x512xf32>,
    } else {
    }
    %lt3A_48 = arith.constant 7 : i32
    %lt3A_49 = arith.cmpi slt, %arg1, %lt3A_48 : i32
    %convert_element_type3A_50 = arith.extui %lt3A_49 : i1 to i32
    %cond3A_51 = arith.constant 0 : i32
    %cond3A_52 = arith.cmpi ne, %convert_element_type3A_50, %cond3A_51 : i32
    scf.if %cond3A_52 {
      %get3A_115 = arith.constant 0 : index
      %get3A_116 = arith.constant 0 : index
      %get3A_117 = arith.constant 3584 : index
      %get3A_118 = vector.load %arg2[%get3A_115, %get3A_116, %get3A_117] : memref<1x1x8192xf32, #tpu.memory_space<vmem>>, vector<1x1x512xf32>
      %get3A_119 = vector.shape_cast %get3A_118 : vector<1x1x512xf32> to vector<512xf32>
      %reshape3A_120 = vector.shape_cast %get3A_119 : vector<512xf32> to vector<1x512xf32>
      %gt3A_121 = vector.broadcast %reshape3A_120 : vector<1x512xf32> to vector<512x512xf32>
      %gt3A_122 = vector.broadcast %reshape3A : vector<512x1xf32> to vector<512x512xf32>
      %gt3A_123 = arith.cmpf ogt, %gt3A_121, %gt3A_122 : vector<512x512xf32>
      %convert_element_type3A_124 = arith.extui %gt3A_123 : vector<512x512xi1> to vector<512x512xi32>
      %convert_element_type3A_125 = arith.sitofp %convert_element_type3A_124 : vector<512x512xi32> to vector<512x512xf32>
      %get3A_126 = arith.constant 0 : index
      %get3A_127 = arith.constant 3584 : index
      %get3A_128 = vector.load %arg4[%get3A_126, %get3A_127] : memref<1x8192xf32, #tpu.memory_space<vmem>>, vector<1x512xf32>
      %get3A_129 = vector.shape_cast %get3A_128 : vector<1x512xf32> to vector<512xf32>
      %reduce_sum3A_130 = arith.constant dense<0.000000e+00> : vector<512xf32>
      %reduce_sum3A_131 = vector.multi_reduction <add>, %convert_element_type3A_125, %reduce_sum3A_130 [0] : vector<512x512xf32> to vector<512xf32>
      %sub3A = arith.constant 5.120000e+02 : f32
      %sub3A_132 = vector.broadcast %sub3A : f32 to vector<512xf32>
      %sub3A_133 = arith.subf %sub3A_132, %reduce_sum3A_131 : vector<512xf32>
      %add3A_134 = arith.addf %get3A_129, %sub3A_133 : vector<512xf32>
      %swap3A_135 = arith.constant 0 : index
      %swap3A_136 = arith.constant 3584 : index
      %swap3A_137 = vector.load %arg4[%swap3A_135, %swap3A_136] : memref<1x8192xf32, #tpu.memory_space<vmem>>, vector<1x512xf32>
      %swap3A_138 = vector.shape_cast %swap3A_137 : vector<1x512xf32> to vector<512xf32>
      %swap3A_139 = vector.shape_cast %add3A_134 : vector<512xf32> to vector<1x512xf32>
      tpu.vector_store %arg4[%swap3A_135, %swap3A_136], %swap3A_139 {strides = array<i32>} : memref<1x8192xf32, #tpu.memory_space<vmem>>, vector<1x512xf32>,
      %get3A_140 = arith.constant 0 : index
      %get3A_141 = arith.constant 0 : index
      %get3A_142 = vector.load %arg5[%get3A_140, %get3A_141] : memref<512x512xf32, #tpu.memory_space<vmem>>, vector<512x512xf32>
      %add3A_143 = arith.addf %get3A_142, %convert_element_type3A_125 : vector<512x512xf32>
      %swap3A_144 = arith.constant 0 : index
      %swap3A_145 = arith.constant 0 : index
      %swap3A_146 = vector.load %arg5[%swap3A_144, %swap3A_145] : memref<512x512xf32, #tpu.memory_space<vmem>>, vector<512x512xf32>
      tpu.vector_store %arg5[%swap3A_144, %swap3A_145], %add3A_143 {strides = array<i32>} : memref<512x512xf32, #tpu.memory_space<vmem>>, vector<512x512xf32>,
    } else {
    }
    %lt3A_53 = arith.constant 8 : i32
    %lt3A_54 = arith.cmpi slt, %arg1, %lt3A_53 : i32
    %convert_element_type3A_55 = arith.extui %lt3A_54 : i1 to i32
    %cond3A_56 = arith.constant 0 : i32
    %cond3A_57 = arith.cmpi ne, %convert_element_type3A_55, %cond3A_56 : i32
    scf.if %cond3A_57 {
      %get3A_115 = arith.constant 0 : index
      %get3A_116 = arith.constant 0 : index
      %get3A_117 = arith.constant 4096 : index
      %get3A_118 = vector.load %arg2[%get3A_115, %get3A_116, %get3A_117] : memref<1x1x8192xf32, #tpu.memory_space<vmem>>, vector<1x1x512xf32>
      %get3A_119 = vector.shape_cast %get3A_118 : vector<1x1x512xf32> to vector<512xf32>
      %reshape3A_120 = vector.shape_cast %get3A_119 : vector<512xf32> to vector<1x512xf32>
      %gt3A_121 = vector.broadcast %reshape3A_120 : vector<1x512xf32> to vector<512x512xf32>
      %gt3A_122 = vector.broadcast %reshape3A : vector<512x1xf32> to vector<512x512xf32>
      %gt3A_123 = arith.cmpf ogt, %gt3A_121, %gt3A_122 : vector<512x512xf32>
      %convert_element_type3A_124 = arith.extui %gt3A_123 : vector<512x512xi1> to vector<512x512xi32>
      %convert_element_type3A_125 = arith.sitofp %convert_element_type3A_124 : vector<512x512xi32> to vector<512x512xf32>
      %get3A_126 = arith.constant 0 : index
      %get3A_127 = arith.constant 4096 : index
      %get3A_128 = vector.load %arg4[%get3A_126, %get3A_127] : memref<1x8192xf32, #tpu.memory_space<vmem>>, vector<1x512xf32>
      %get3A_129 = vector.shape_cast %get3A_128 : vector<1x512xf32> to vector<512xf32>
      %reduce_sum3A_130 = arith.constant dense<0.000000e+00> : vector<512xf32>
      %reduce_sum3A_131 = vector.multi_reduction <add>, %convert_element_type3A_125, %reduce_sum3A_130 [0] : vector<512x512xf32> to vector<512xf32>
      %sub3A = arith.constant 5.120000e+02 : f32
      %sub3A_132 = vector.broadcast %sub3A : f32 to vector<512xf32>
      %sub3A_133 = arith.subf %sub3A_132, %reduce_sum3A_131 : vector<512xf32>
      %add3A_134 = arith.addf %get3A_129, %sub3A_133 : vector<512xf32>
      %swap3A_135 = arith.constant 0 : index
      %swap3A_136 = arith.constant 4096 : index
      %swap3A_137 = vector.load %arg4[%swap3A_135, %swap3A_136] : memref<1x8192xf32, #tpu.memory_space<vmem>>, vector<1x512xf32>
      %swap3A_138 = vector.shape_cast %swap3A_137 : vector<1x512xf32> to vector<512xf32>
      %swap3A_139 = vector.shape_cast %add3A_134 : vector<512xf32> to vector<1x512xf32>
      tpu.vector_store %arg4[%swap3A_135, %swap3A_136], %swap3A_139 {strides = array<i32>} : memref<1x8192xf32, #tpu.memory_space<vmem>>, vector<1x512xf32>,
      %get3A_140 = arith.constant 0 : index
      %get3A_141 = arith.constant 0 : index
      %get3A_142 = vector.load %arg5[%get3A_140, %get3A_141] : memref<512x512xf32, #tpu.memory_space<vmem>>, vector<512x512xf32>
      %add3A_143 = arith.addf %get3A_142, %convert_element_type3A_125 : vector<512x512xf32>
      %swap3A_144 = arith.constant 0 : index
      %swap3A_145 = arith.constant 0 : index
      %swap3A_146 = vector.load %arg5[%swap3A_144, %swap3A_145] : memref<512x512xf32, #tpu.memory_space<vmem>>, vector<512x512xf32>
      tpu.vector_store %arg5[%swap3A_144, %swap3A_145], %add3A_143 {strides = array<i32>} : memref<512x512xf32, #tpu.memory_space<vmem>>, vector<512x512xf32>,
    } else {
    }
    %lt3A_58 = arith.constant 9 : i32
    %lt3A_59 = arith.cmpi slt, %arg1, %lt3A_58 : i32
    %convert_element_type3A_60 = arith.extui %lt3A_59 : i1 to i32
    %cond3A_61 = arith.constant 0 : i32
    %cond3A_62 = arith.cmpi ne, %convert_element_type3A_60, %cond3A_61 : i32
    scf.if %cond3A_62 {
      %get3A_115 = arith.constant 0 : index
      %get3A_116 = arith.constant 0 : index
      %get3A_117 = arith.constant 4608 : index
      %get3A_118 = vector.load %arg2[%get3A_115, %get3A_116, %get3A_117] : memref<1x1x8192xf32, #tpu.memory_space<vmem>>, vector<1x1x512xf32>
      %get3A_119 = vector.shape_cast %get3A_118 : vector<1x1x512xf32> to vector<512xf32>
      %reshape3A_120 = vector.shape_cast %get3A_119 : vector<512xf32> to vector<1x512xf32>
      %gt3A_121 = vector.broadcast %reshape3A_120 : vector<1x512xf32> to vector<512x512xf32>
      %gt3A_122 = vector.broadcast %reshape3A : vector<512x1xf32> to vector<512x512xf32>
      %gt3A_123 = arith.cmpf ogt, %gt3A_121, %gt3A_122 : vector<512x512xf32>
      %convert_element_type3A_124 = arith.extui %gt3A_123 : vector<512x512xi1> to vector<512x512xi32>
      %convert_element_type3A_125 = arith.sitofp %convert_element_type3A_124 : vector<512x512xi32> to vector<512x512xf32>
      %get3A_126 = arith.constant 0 : index
      %get3A_127 = arith.constant 4608 : index
      %get3A_128 = vector.load %arg4[%get3A_126, %get3A_127] : memref<1x8192xf32, #tpu.memory_space<vmem>>, vector<1x512xf32>
      %get3A_129 = vector.shape_cast %get3A_128 : vector<1x512xf32> to vector<512xf32>
      %reduce_sum3A_130 = arith.constant dense<0.000000e+00> : vector<512xf32>
      %reduce_sum3A_131 = vector.multi_reduction <add>, %convert_element_type3A_125, %reduce_sum3A_130 [0] : vector<512x512xf32> to vector<512xf32>
      %sub3A = arith.constant 5.120000e+02 : f32
      %sub3A_132 = vector.broadcast %sub3A : f32 to vector<512xf32>
      %sub3A_133 = arith.subf %sub3A_132, %reduce_sum3A_131 : vector<512xf32>
      %add3A_134 = arith.addf %get3A_129, %sub3A_133 : vector<512xf32>
      %swap3A_135 = arith.constant 0 : index
      %swap3A_136 = arith.constant 4608 : index
      %swap3A_137 = vector.load %arg4[%swap3A_135, %swap3A_136] : memref<1x8192xf32, #tpu.memory_space<vmem>>, vector<1x512xf32>
      %swap3A_138 = vector.shape_cast %swap3A_137 : vector<1x512xf32> to vector<512xf32>
      %swap3A_139 = vector.shape_cast %add3A_134 : vector<512xf32> to vector<1x512xf32>
      tpu.vector_store %arg4[%swap3A_135, %swap3A_136], %swap3A_139 {strides = array<i32>} : memref<1x8192xf32, #tpu.memory_space<vmem>>, vector<1x512xf32>,
      %get3A_140 = arith.constant 0 : index
      %get3A_141 = arith.constant 0 : index
      %get3A_142 = vector.load %arg5[%get3A_140, %get3A_141] : memref<512x512xf32, #tpu.memory_space<vmem>>, vector<512x512xf32>
      %add3A_143 = arith.addf %get3A_142, %convert_element_type3A_125 : vector<512x512xf32>
      %swap3A_144 = arith.constant 0 : index
      %swap3A_145 = arith.constant 0 : index
      %swap3A_146 = vector.load %arg5[%swap3A_144, %swap3A_145] : memref<512x512xf32, #tpu.memory_space<vmem>>, vector<512x512xf32>
      tpu.vector_store %arg5[%swap3A_144, %swap3A_145], %add3A_143 {strides = array<i32>} : memref<512x512xf32, #tpu.memory_space<vmem>>, vector<512x512xf32>,
    } else {
    }
    %lt3A_63 = arith.constant 10 : i32
    %lt3A_64 = arith.cmpi slt, %arg1, %lt3A_63 : i32
    %convert_element_type3A_65 = arith.extui %lt3A_64 : i1 to i32
    %cond3A_66 = arith.constant 0 : i32
    %cond3A_67 = arith.cmpi ne, %convert_element_type3A_65, %cond3A_66 : i32
    scf.if %cond3A_67 {
      %get3A_115 = arith.constant 0 : index
      %get3A_116 = arith.constant 0 : index
      %get3A_117 = arith.constant 5120 : index
      %get3A_118 = vector.load %arg2[%get3A_115, %get3A_116, %get3A_117] : memref<1x1x8192xf32, #tpu.memory_space<vmem>>, vector<1x1x512xf32>
      %get3A_119 = vector.shape_cast %get3A_118 : vector<1x1x512xf32> to vector<512xf32>
      %reshape3A_120 = vector.shape_cast %get3A_119 : vector<512xf32> to vector<1x512xf32>
      %gt3A_121 = vector.broadcast %reshape3A_120 : vector<1x512xf32> to vector<512x512xf32>
      %gt3A_122 = vector.broadcast %reshape3A : vector<512x1xf32> to vector<512x512xf32>
      %gt3A_123 = arith.cmpf ogt, %gt3A_121, %gt3A_122 : vector<512x512xf32>
      %convert_element_type3A_124 = arith.extui %gt3A_123 : vector<512x512xi1> to vector<512x512xi32>
      %convert_element_type3A_125 = arith.sitofp %convert_element_type3A_124 : vector<512x512xi32> to vector<512x512xf32>
      %get3A_126 = arith.constant 0 : index
      %get3A_127 = arith.constant 5120 : index
      %get3A_128 = vector.load %arg4[%get3A_126, %get3A_127] : memref<1x8192xf32, #tpu.memory_space<vmem>>, vector<1x512xf32>
      %get3A_129 = vector.shape_cast %get3A_128 : vector<1x512xf32> to vector<512xf32>
      %reduce_sum3A_130 = arith.constant dense<0.000000e+00> : vector<512xf32>
      %reduce_sum3A_131 = vector.multi_reduction <add>, %convert_element_type3A_125, %reduce_sum3A_130 [0] : vector<512x512xf32> to vector<512xf32>
      %sub3A = arith.constant 5.120000e+02 : f32
      %sub3A_132 = vector.broadcast %sub3A : f32 to vector<512xf32>
      %sub3A_133 = arith.subf %sub3A_132, %reduce_sum3A_131 : vector<512xf32>
      %add3A_134 = arith.addf %get3A_129, %sub3A_133 : vector<512xf32>
      %swap3A_135 = arith.constant 0 : index
      %swap3A_136 = arith.constant 5120 : index
      %swap3A_137 = vector.load %arg4[%swap3A_135, %swap3A_136] : memref<1x8192xf32, #tpu.memory_space<vmem>>, vector<1x512xf32>
      %swap3A_138 = vector.shape_cast %swap3A_137 : vector<1x512xf32> to vector<512xf32>
      %swap3A_139 = vector.shape_cast %add3A_134 : vector<512xf32> to vector<1x512xf32>
      tpu.vector_store %arg4[%swap3A_135, %swap3A_136], %swap3A_139 {strides = array<i32>} : memref<1x8192xf32, #tpu.memory_space<vmem>>, vector<1x512xf32>,
      %get3A_140 = arith.constant 0 : index
      %get3A_141 = arith.constant 0 : index
      %get3A_142 = vector.load %arg5[%get3A_140, %get3A_141] : memref<512x512xf32, #tpu.memory_space<vmem>>, vector<512x512xf32>
      %add3A_143 = arith.addf %get3A_142, %convert_element_type3A_125 : vector<512x512xf32>
      %swap3A_144 = arith.constant 0 : index
      %swap3A_145 = arith.constant 0 : index
      %swap3A_146 = vector.load %arg5[%swap3A_144, %swap3A_145] : memref<512x512xf32, #tpu.memory_space<vmem>>, vector<512x512xf32>
      tpu.vector_store %arg5[%swap3A_144, %swap3A_145], %add3A_143 {strides = array<i32>} : memref<512x512xf32, #tpu.memory_space<vmem>>, vector<512x512xf32>,
    } else {
    }
    %lt3A_68 = arith.constant 11 : i32
    %lt3A_69 = arith.cmpi slt, %arg1, %lt3A_68 : i32
    %convert_element_type3A_70 = arith.extui %lt3A_69 : i1 to i32
    %cond3A_71 = arith.constant 0 : i32
    %cond3A_72 = arith.cmpi ne, %convert_element_type3A_70, %cond3A_71 : i32
    scf.if %cond3A_72 {
      %get3A_115 = arith.constant 0 : index
      %get3A_116 = arith.constant 0 : index
      %get3A_117 = arith.constant 5632 : index
      %get3A_118 = vector.load %arg2[%get3A_115, %get3A_116, %get3A_117] : memref<1x1x8192xf32, #tpu.memory_space<vmem>>, vector<1x1x512xf32>
      %get3A_119 = vector.shape_cast %get3A_118 : vector<1x1x512xf32> to vector<512xf32>
      %reshape3A_120 = vector.shape_cast %get3A_119 : vector<512xf32> to vector<1x512xf32>
      %gt3A_121 = vector.broadcast %reshape3A_120 : vector<1x512xf32> to vector<512x512xf32>
      %gt3A_122 = vector.broadcast %reshape3A : vector<512x1xf32> to vector<512x512xf32>
      %gt3A_123 = arith.cmpf ogt, %gt3A_121, %gt3A_122 : vector<512x512xf32>
      %convert_element_type3A_124 = arith.extui %gt3A_123 : vector<512x512xi1> to vector<512x512xi32>
      %convert_element_type3A_125 = arith.sitofp %convert_element_type3A_124 : vector<512x512xi32> to vector<512x512xf32>
      %get3A_126 = arith.constant 0 : index
      %get3A_127 = arith.constant 5632 : index
      %get3A_128 = vector.load %arg4[%get3A_126, %get3A_127] : memref<1x8192xf32, #tpu.memory_space<vmem>>, vector<1x512xf32>
      %get3A_129 = vector.shape_cast %get3A_128 : vector<1x512xf32> to vector<512xf32>
      %reduce_sum3A_130 = arith.constant dense<0.000000e+00> : vector<512xf32>
      %reduce_sum3A_131 = vector.multi_reduction <add>, %convert_element_type3A_125, %reduce_sum3A_130 [0] : vector<512x512xf32> to vector<512xf32>
      %sub3A = arith.constant 5.120000e+02 : f32
      %sub3A_132 = vector.broadcast %sub3A : f32 to vector<512xf32>
      %sub3A_133 = arith.subf %sub3A_132, %reduce_sum3A_131 : vector<512xf32>
      %add3A_134 = arith.addf %get3A_129, %sub3A_133 : vector<512xf32>
      %swap3A_135 = arith.constant 0 : index
      %swap3A_136 = arith.constant 5632 : index
      %swap3A_137 = vector.load %arg4[%swap3A_135, %swap3A_136] : memref<1x8192xf32, #tpu.memory_space<vmem>>, vector<1x512xf32>
      %swap3A_138 = vector.shape_cast %swap3A_137 : vector<1x512xf32> to vector<512xf32>
      %swap3A_139 = vector.shape_cast %add3A_134 : vector<512xf32> to vector<1x512xf32>
      tpu.vector_store %arg4[%swap3A_135, %swap3A_136], %swap3A_139 {strides = array<i32>} : memref<1x8192xf32, #tpu.memory_space<vmem>>, vector<1x512xf32>,
      %get3A_140 = arith.constant 0 : index
      %get3A_141 = arith.constant 0 : index
      %get3A_142 = vector.load %arg5[%get3A_140, %get3A_141] : memref<512x512xf32, #tpu.memory_space<vmem>>, vector<512x512xf32>
      %add3A_143 = arith.addf %get3A_142, %convert_element_type3A_125 : vector<512x512xf32>
      %swap3A_144 = arith.constant 0 : index
      %swap3A_145 = arith.constant 0 : index
      %swap3A_146 = vector.load %arg5[%swap3A_144, %swap3A_145] : memref<512x512xf32, #tpu.memory_space<vmem>>, vector<512x512xf32>
      tpu.vector_store %arg5[%swap3A_144, %swap3A_145], %add3A_143 {strides = array<i32>} : memref<512x512xf32, #tpu.memory_space<vmem>>, vector<512x512xf32>,
    } else {
    }
    %lt3A_73 = arith.constant 12 : i32
    %lt3A_74 = arith.cmpi slt, %arg1, %lt3A_73 : i32
    %convert_element_type3A_75 = arith.extui %lt3A_74 : i1 to i32
    %cond3A_76 = arith.constant 0 : i32
    %cond3A_77 = arith.cmpi ne, %convert_element_type3A_75, %cond3A_76 : i32
    scf.if %cond3A_77 {
      %get3A_115 = arith.constant 0 : index
      %get3A_116 = arith.constant 0 : index
      %get3A_117 = arith.constant 6144 : index
      %get3A_118 = vector.load %arg2[%get3A_115, %get3A_116, %get3A_117] : memref<1x1x8192xf32, #tpu.memory_space<vmem>>, vector<1x1x512xf32>
      %get3A_119 = vector.shape_cast %get3A_118 : vector<1x1x512xf32> to vector<512xf32>
      %reshape3A_120 = vector.shape_cast %get3A_119 : vector<512xf32> to vector<1x512xf32>
      %gt3A_121 = vector.broadcast %reshape3A_120 : vector<1x512xf32> to vector<512x512xf32>
      %gt3A_122 = vector.broadcast %reshape3A : vector<512x1xf32> to vector<512x512xf32>
      %gt3A_123 = arith.cmpf ogt, %gt3A_121, %gt3A_122 : vector<512x512xf32>
      %convert_element_type3A_124 = arith.extui %gt3A_123 : vector<512x512xi1> to vector<512x512xi32>
      %convert_element_type3A_125 = arith.sitofp %convert_element_type3A_124 : vector<512x512xi32> to vector<512x512xf32>
      %get3A_126 = arith.constant 0 : index
      %get3A_127 = arith.constant 6144 : index
      %get3A_128 = vector.load %arg4[%get3A_126, %get3A_127] : memref<1x8192xf32, #tpu.memory_space<vmem>>, vector<1x512xf32>
      %get3A_129 = vector.shape_cast %get3A_128 : vector<1x512xf32> to vector<512xf32>
      %reduce_sum3A_130 = arith.constant dense<0.000000e+00> : vector<512xf32>
      %reduce_sum3A_131 = vector.multi_reduction <add>, %convert_element_type3A_125, %reduce_sum3A_130 [0] : vector<512x512xf32> to vector<512xf32>
      %sub3A = arith.constant 5.120000e+02 : f32
      %sub3A_132 = vector.broadcast %sub3A : f32 to vector<512xf32>
      %sub3A_133 = arith.subf %sub3A_132, %reduce_sum3A_131 : vector<512xf32>
      %add3A_134 = arith.addf %get3A_129, %sub3A_133 : vector<512xf32>
      %swap3A_135 = arith.constant 0 : index
      %swap3A_136 = arith.constant 6144 : index
      %swap3A_137 = vector.load %arg4[%swap3A_135, %swap3A_136] : memref<1x8192xf32, #tpu.memory_space<vmem>>, vector<1x512xf32>
      %swap3A_138 = vector.shape_cast %swap3A_137 : vector<1x512xf32> to vector<512xf32>
      %swap3A_139 = vector.shape_cast %add3A_134 : vector<512xf32> to vector<1x512xf32>
      tpu.vector_store %arg4[%swap3A_135, %swap3A_136], %swap3A_139 {strides = array<i32>} : memref<1x8192xf32, #tpu.memory_space<vmem>>, vector<1x512xf32>,
      %get3A_140 = arith.constant 0 : index
      %get3A_141 = arith.constant 0 : index
      %get3A_142 = vector.load %arg5[%get3A_140, %get3A_141] : memref<512x512xf32, #tpu.memory_space<vmem>>, vector<512x512xf32>
      %add3A_143 = arith.addf %get3A_142, %convert_element_type3A_125 : vector<512x512xf32>
      %swap3A_144 = arith.constant 0 : index
      %swap3A_145 = arith.constant 0 : index
      %swap3A_146 = vector.load %arg5[%swap3A_144, %swap3A_145] : memref<512x512xf32, #tpu.memory_space<vmem>>, vector<512x512xf32>
      tpu.vector_store %arg5[%swap3A_144, %swap3A_145], %add3A_143 {strides = array<i32>} : memref<512x512xf32, #tpu.memory_space<vmem>>, vector<512x512xf32>,
    } else {
    }
    %lt3A_78 = arith.constant 13 : i32
    %lt3A_79 = arith.cmpi slt, %arg1, %lt3A_78 : i32
    %convert_element_type3A_80 = arith.extui %lt3A_79 : i1 to i32
    %cond3A_81 = arith.constant 0 : i32
    %cond3A_82 = arith.cmpi ne, %convert_element_type3A_80, %cond3A_81 : i32
    scf.if %cond3A_82 {
      %get3A_115 = arith.constant 0 : index
      %get3A_116 = arith.constant 0 : index
      %get3A_117 = arith.constant 6656 : index
      %get3A_118 = vector.load %arg2[%get3A_115, %get3A_116, %get3A_117] : memref<1x1x8192xf32, #tpu.memory_space<vmem>>, vector<1x1x512xf32>
      %get3A_119 = vector.shape_cast %get3A_118 : vector<1x1x512xf32> to vector<512xf32>
      %reshape3A_120 = vector.shape_cast %get3A_119 : vector<512xf32> to vector<1x512xf32>
      %gt3A_121 = vector.broadcast %reshape3A_120 : vector<1x512xf32> to vector<512x512xf32>
      %gt3A_122 = vector.broadcast %reshape3A : vector<512x1xf32> to vector<512x512xf32>
      %gt3A_123 = arith.cmpf ogt, %gt3A_121, %gt3A_122 : vector<512x512xf32>
      %convert_element_type3A_124 = arith.extui %gt3A_123 : vector<512x512xi1> to vector<512x512xi32>
      %convert_element_type3A_125 = arith.sitofp %convert_element_type3A_124 : vector<512x512xi32> to vector<512x512xf32>
      %get3A_126 = arith.constant 0 : index
      %get3A_127 = arith.constant 6656 : index
      %get3A_128 = vector.load %arg4[%get3A_126, %get3A_127] : memref<1x8192xf32, #tpu.memory_space<vmem>>, vector<1x512xf32>
      %get3A_129 = vector.shape_cast %get3A_128 : vector<1x512xf32> to vector<512xf32>
      %reduce_sum3A_130 = arith.constant dense<0.000000e+00> : vector<512xf32>
      %reduce_sum3A_131 = vector.multi_reduction <add>, %convert_element_type3A_125, %reduce_sum3A_130 [0] : vector<512x512xf32> to vector<512xf32>
      %sub3A = arith.constant 5.120000e+02 : f32
      %sub3A_132 = vector.broadcast %sub3A : f32 to vector<512xf32>
      %sub3A_133 = arith.subf %sub3A_132, %reduce_sum3A_131 : vector<512xf32>
      %add3A_134 = arith.addf %get3A_129, %sub3A_133 : vector<512xf32>
      %swap3A_135 = arith.constant 0 : index
      %swap3A_136 = arith.constant 6656 : index
      %swap3A_137 = vector.load %arg4[%swap3A_135, %swap3A_136] : memref<1x8192xf32, #tpu.memory_space<vmem>>, vector<1x512xf32>
      %swap3A_138 = vector.shape_cast %swap3A_137 : vector<1x512xf32> to vector<512xf32>
      %swap3A_139 = vector.shape_cast %add3A_134 : vector<512xf32> to vector<1x512xf32>
      tpu.vector_store %arg4[%swap3A_135, %swap3A_136], %swap3A_139 {strides = array<i32>} : memref<1x8192xf32, #tpu.memory_space<vmem>>, vector<1x512xf32>,
      %get3A_140 = arith.constant 0 : index
      %get3A_141 = arith.constant 0 : index
      %get3A_142 = vector.load %arg5[%get3A_140, %get3A_141] : memref<512x512xf32, #tpu.memory_space<vmem>>, vector<512x512xf32>
      %add3A_143 = arith.addf %get3A_142, %convert_element_type3A_125 : vector<512x512xf32>
      %swap3A_144 = arith.constant 0 : index
      %swap3A_145 = arith.constant 0 : index
      %swap3A_146 = vector.load %arg5[%swap3A_144, %swap3A_145] : memref<512x512xf32, #tpu.memory_space<vmem>>, vector<512x512xf32>
      tpu.vector_store %arg5[%swap3A_144, %swap3A_145], %add3A_143 {strides = array<i32>} : memref<512x512xf32, #tpu.memory_space<vmem>>, vector<512x512xf32>,
    } else {
    }
    %lt3A_83 = arith.constant 14 : i32
    %lt3A_84 = arith.cmpi slt, %arg1, %lt3A_83 : i32
    %convert_element_type3A_85 = arith.extui %lt3A_84 : i1 to i32
    %cond3A_86 = arith.constant 0 : i32
    %cond3A_87 = arith.cmpi ne, %convert_element_type3A_85, %cond3A_86 : i32
    scf.if %cond3A_87 {
      %get3A_115 = arith.constant 0 : index
      %get3A_116 = arith.constant 0 : index
      %get3A_117 = arith.constant 7168 : index
      %get3A_118 = vector.load %arg2[%get3A_115, %get3A_116, %get3A_117] : memref<1x1x8192xf32, #tpu.memory_space<vmem>>, vector<1x1x512xf32>
      %get3A_119 = vector.shape_cast %get3A_118 : vector<1x1x512xf32> to vector<512xf32>
      %reshape3A_120 = vector.shape_cast %get3A_119 : vector<512xf32> to vector<1x512xf32>
      %gt3A_121 = vector.broadcast %reshape3A_120 : vector<1x512xf32> to vector<512x512xf32>
      %gt3A_122 = vector.broadcast %reshape3A : vector<512x1xf32> to vector<512x512xf32>
      %gt3A_123 = arith.cmpf ogt, %gt3A_121, %gt3A_122 : vector<512x512xf32>
      %convert_element_type3A_124 = arith.extui %gt3A_123 : vector<512x512xi1> to vector<512x512xi32>
      %convert_element_type3A_125 = arith.sitofp %convert_element_type3A_124 : vector<512x512xi32> to vector<512x512xf32>
      %get3A_126 = arith.constant 0 : index
      %get3A_127 = arith.constant 7168 : index
      %get3A_128 = vector.load %arg4[%get3A_126, %get3A_127] : memref<1x8192xf32, #tpu.memory_space<vmem>>, vector<1x512xf32>
      %get3A_129 = vector.shape_cast %get3A_128 : vector<1x512xf32> to vector<512xf32>
      %reduce_sum3A_130 = arith.constant dense<0.000000e+00> : vector<512xf32>
      %reduce_sum3A_131 = vector.multi_reduction <add>, %convert_element_type3A_125, %reduce_sum3A_130 [0] : vector<512x512xf32> to vector<512xf32>
      %sub3A = arith.constant 5.120000e+02 : f32
      %sub3A_132 = vector.broadcast %sub3A : f32 to vector<512xf32>
      %sub3A_133 = arith.subf %sub3A_132, %reduce_sum3A_131 : vector<512xf32>
      %add3A_134 = arith.addf %get3A_129, %sub3A_133 : vector<512xf32>
      %swap3A_135 = arith.constant 0 : index
      %swap3A_136 = arith.constant 7168 : index
      %swap3A_137 = vector.load %arg4[%swap3A_135, %swap3A_136] : memref<1x8192xf32, #tpu.memory_space<vmem>>, vector<1x512xf32>
      %swap3A_138 = vector.shape_cast %swap3A_137 : vector<1x512xf32> to vector<512xf32>
      %swap3A_139 = vector.shape_cast %add3A_134 : vector<512xf32> to vector<1x512xf32>
      tpu.vector_store %arg4[%swap3A_135, %swap3A_136], %swap3A_139 {strides = array<i32>} : memref<1x8192xf32, #tpu.memory_space<vmem>>, vector<1x512xf32>,
      %get3A_140 = arith.constant 0 : index
      %get3A_141 = arith.constant 0 : index
      %get3A_142 = vector.load %arg5[%get3A_140, %get3A_141] : memref<512x512xf32, #tpu.memory_space<vmem>>, vector<512x512xf32>
      %add3A_143 = arith.addf %get3A_142, %convert_element_type3A_125 : vector<512x512xf32>
      %swap3A_144 = arith.constant 0 : index
      %swap3A_145 = arith.constant 0 : index
      %swap3A_146 = vector.load %arg5[%swap3A_144, %swap3A_145] : memref<512x512xf32, #tpu.memory_space<vmem>>, vector<512x512xf32>
      tpu.vector_store %arg5[%swap3A_144, %swap3A_145], %add3A_143 {strides = array<i32>} : memref<512x512xf32, #tpu.memory_space<vmem>>, vector<512x512xf32>,
    } else {
    }
    %lt3A_88 = arith.constant 15 : i32
    %lt3A_89 = arith.cmpi slt, %arg1, %lt3A_88 : i32
    %convert_element_type3A_90 = arith.extui %lt3A_89 : i1 to i32
    %cond3A_91 = arith.constant 0 : i32
    %cond3A_92 = arith.cmpi ne, %convert_element_type3A_90, %cond3A_91 : i32
    scf.if %cond3A_92 {
      %get3A_115 = arith.constant 0 : index
      %get3A_116 = arith.constant 0 : index
      %get3A_117 = arith.constant 7680 : index
      %get3A_118 = vector.load %arg2[%get3A_115, %get3A_116, %get3A_117] : memref<1x1x8192xf32, #tpu.memory_space<vmem>>, vector<1x1x512xf32>
      %get3A_119 = vector.shape_cast %get3A_118 : vector<1x1x512xf32> to vector<512xf32>
      %reshape3A_120 = vector.shape_cast %get3A_119 : vector<512xf32> to vector<1x512xf32>
      %gt3A_121 = vector.broadcast %reshape3A_120 : vector<1x512xf32> to vector<512x512xf32>
      %gt3A_122 = vector.broadcast %reshape3A : vector<512x1xf32> to vector<512x512xf32>
      %gt3A_123 = arith.cmpf ogt, %gt3A_121, %gt3A_122 : vector<512x512xf32>
      %convert_element_type3A_124 = arith.extui %gt3A_123 : vector<512x512xi1> to vector<512x512xi32>
      %convert_element_type3A_125 = arith.sitofp %convert_element_type3A_124 : vector<512x512xi32> to vector<512x512xf32>
      %get3A_126 = arith.constant 0 : index
      %get3A_127 = arith.constant 7680 : index
      %get3A_128 = vector.load %arg4[%get3A_126, %get3A_127] : memref<1x8192xf32, #tpu.memory_space<vmem>>, vector<1x512xf32>
      %get3A_129 = vector.shape_cast %get3A_128 : vector<1x512xf32> to vector<512xf32>
      %reduce_sum3A_130 = arith.constant dense<0.000000e+00> : vector<512xf32>
      %reduce_sum3A_131 = vector.multi_reduction <add>, %convert_element_type3A_125, %reduce_sum3A_130 [0] : vector<512x512xf32> to vector<512xf32>
      %sub3A = arith.constant 5.120000e+02 : f32
      %sub3A_132 = vector.broadcast %sub3A : f32 to vector<512xf32>
      %sub3A_133 = arith.subf %sub3A_132, %reduce_sum3A_131 : vector<512xf32>
      %add3A_134 = arith.addf %get3A_129, %sub3A_133 : vector<512xf32>
      %swap3A_135 = arith.constant 0 : index
      %swap3A_136 = arith.constant 7680 : index
      %swap3A_137 = vector.load %arg4[%swap3A_135, %swap3A_136] : memref<1x8192xf32, #tpu.memory_space<vmem>>, vector<1x512xf32>
      %swap3A_138 = vector.shape_cast %swap3A_137 : vector<1x512xf32> to vector<512xf32>
      %swap3A_139 = vector.shape_cast %add3A_134 : vector<512xf32> to vector<1x512xf32>
      tpu.vector_store %arg4[%swap3A_135, %swap3A_136], %swap3A_139 {strides = array<i32>} : memref<1x8192xf32, #tpu.memory_space<vmem>>, vector<1x512xf32>,
      %get3A_140 = arith.constant 0 : index
      %get3A_141 = arith.constant 0 : index
      %get3A_142 = vector.load %arg5[%get3A_140, %get3A_141] : memref<512x512xf32, #tpu.memory_space<vmem>>, vector<512x512xf32>
      %add3A_143 = arith.addf %get3A_142, %convert_element_type3A_125 : vector<512x512xf32>
      %swap3A_144 = arith.constant 0 : index
      %swap3A_145 = arith.constant 0 : index
      %swap3A_146 = vector.load %arg5[%swap3A_144, %swap3A_145] : memref<512x512xf32, #tpu.memory_space<vmem>>, vector<512x512xf32>
      tpu.vector_store %arg5[%swap3A_144, %swap3A_145], %add3A_143 {strides = array<i32>} : memref<512x512xf32, #tpu.memory_space<vmem>>, vector<512x512xf32>,
    } else {
    }
    %mul3A_93 = arith.constant 512 : i32
    %mul3A_94 = arith.muli %arg1, %mul3A_93 : i32
    %get3A_95 = arith.constant 0 : index
    %get3A_96 = arith.index_cast %mul3A_94 : i32 to index
    %get3A_97 = vector.load %arg4[%get3A_95, %get3A_96] : memref<1x8192xf32, #tpu.memory_space<vmem>>, vector<1x512xf32>
    %get3A_98 = vector.shape_cast %get3A_97 : vector<1x512xf32> to vector<512xf32>
    %get3A_99 = arith.constant 0 : index
    %get3A_100 = arith.constant 0 : index
    %get3A_101 = vector.load %arg5[%get3A_99, %get3A_100] : memref<512x512xf32, #tpu.memory_space<vmem>>, vector<512x512xf32>
    %reduce_sum3A = arith.constant dense<0.000000e+00> : vector<512xf32>
    %reduce_sum3A_102 = vector.multi_reduction <add>, %get3A_101, %reduce_sum3A [1] : vector<512x512xf32> to vector<512xf32>
    %add3A = arith.addf %get3A_98, %reduce_sum3A_102 : vector<512xf32>
    %mul3A_103 = arith.constant 512 : i32
    %mul3A_104 = arith.muli %arg1, %mul3A_103 : i32
    %swap3A_105 = arith.constant 0 : index
    %swap3A_106 = arith.index_cast %mul3A_104 : i32 to index
    %swap3A_107 = vector.load %arg4[%swap3A_105, %swap3A_106] : memref<1x8192xf32, #tpu.memory_space<vmem>>, vector<1x512xf32>
    %swap3A_108 = vector.shape_cast %swap3A_107 : vector<1x512xf32> to vector<512xf32>
    %swap3A_109 = vector.shape_cast %add3A : vector<512xf32> to vector<1x512xf32>
    tpu.vector_store %arg4[%swap3A_105, %swap3A_106], %swap3A_109 {strides = array<i32>} : memref<1x8192xf32, #tpu.memory_space<vmem>>, vector<1x512xf32>,
    %eq3A_110 = arith.constant 15 : i32
    %eq3A_111 = arith.cmpi eq, %arg1, %eq3A_110 : i32
    %convert_element_type3A_112 = arith.extui %eq3A_111 : i1 to i32
    %cond3A_113 = arith.constant 0 : i32
    %cond3A_114 = arith.cmpi ne, %convert_element_type3A_112, %cond3A_113 : i32
    scf.if %cond3A_114 {
      %get3A_115 = arith.constant 0 : index
      %get3A_116 = arith.constant 0 : index
      %get3A_117 = vector.load %arg4[%get3A_115, %get3A_116] : memref<1x8192xf32, #tpu.memory_space<vmem>>, vector<1x8192xf32>
      %get3A_118 = vector.shape_cast %get3A_117 : vector<1x8192xf32> to vector<8192xf32>
      %convert_element_type3A_119 = arith.fptosi %get3A_118 : vector<8192xf32> to vector<8192xi32>
      %swap3A_120 = arith.constant 0 : index
      %swap3A_121 = arith.constant 0 : index
      %swap3A_122 = arith.constant 0 : index
      %swap3A_123 = vector.load %arg3[%swap3A_120, %swap3A_121, %swap3A_122] : memref<1x1x8192xi32, #tpu.memory_space<vmem>>, vector<1x1x8192xi32>
      %swap3A_124 = vector.shape_cast %swap3A_123 : vector<1x1x8192xi32> to vector<8192xi32>
      %swap3A_125 = vector.shape_cast %convert_element_type3A_119 : vector<8192xi32> to vector<1x1x8192xi32>
      tpu.vector_store %arg3[%swap3A_120, %swap3A_121, %swap3A_122], %swap3A_125 {strides = array<i32>} : memref<1x1x8192xi32, #tpu.memory_space<vmem>>, vector<1x1x8192xi32>,
    } else {
    }
    return
  }
  func.func @transform_0(%arg0: i32, %arg1: i32) -> (i32, i32, i32) {
    %c0_i32 = arith.constant 0 : i32
    %c0_i32_0 = arith.constant 0 : i32
    %c0_i32_1 = arith.constant 0 : i32
    return %arg0, %c0_i32, %c0_i32_0 : i32, i32, i32
  }
  func.func @transform_1(%arg0: i32, %arg1: i32) -> (i32, i32, i32) {
    %c0_i32 = arith.constant 0 : i32
    %c0_i32_0 = arith.constant 0 : i32
    %c0_i32_1 = arith.constant 0 : i32
    return %arg0, %c0_i32, %c0_i32_0 : i32, i32, i32
  }
}

</mosaic_0001>

<sc_bundles>
// kernel: kernel.5.cloned.1.call-start
scs
__scs_entry_jumppad:
0x0: {  	(pc) =	sbr.rel $0x88, $3  }
0x1: {  	(tag) =	ssettag $0x0;
	lr =	simm.s32 $0x1  }
0x2: {  	[smem:$0x3F9C] =	sst lr;
	_ =	strace $0xD0000000  }
0x3: {  	_ = 	snop  }
0x4: {  	_ = 	snop  }
0x5: {  	_ = 	snop  }
0x6: {  	_ = 	snop  }
0x7: {  	_ = 	snop  }
__scs_overlays_trampoline_lowered:
0x8: {  	[smem:$0x3FAB] =	sst s0  }
0x9: {  	[smem:$0x3FAC] =	sst s1  }
0xa: {  	[smem:$0x3FAD] =	sst s2  }
0xb: {  	[smem:$0x3FAE] =	sst s3  }
0xc: {  	[smem:$0x3FAF] =	sst s4  }
0xd: {  	[smem:$0x3FB0] =	sst s5  }
0xe: {  	[smem:$0x3FB1] =	sst s6  }
0xf: {  	[smem:$0x3FB2] =	sst s7  }
0x10: {  	[smem:$0x3FB3] =	sst s8  }
0x11: {  	[smem:$0x3FB4] =	sst s9;
	s0 =	simm.s32 @!p0 $0x0  }
0x12: {  	s1 =	sld [smem:$0x3F9A];
	s0 =	simm.s32 @p0 $0x1  }
0x13: {  	[smem:$0x3FB5] =	sst s0;
	s0 =	simm.s32 @!p1 $0x0  }
0x14: {  	s2 =	sld [smem:$0x3F99];
	s0 =	simm.s32 @p1 $0x1  }
0x15: {  	[smem:$0x3FB6] =	sst s0;
	s0 =	simm.s32 @!p2 $0x0  }
0x16: {  	s3 =	sld [smem:$0x3FDB];
	s0 =	simm.s32 @p2 $0x1  }
0x17: {  	s4 =	simm.s32 $0x1BF5;
	[smem:$0x3FB8] =	sst s0  }
0x18: {  	s0 =	sld [smem:$0x3F9B];
	_ =	swait.ge [sflag:s4], $0x0  }
0x19: {  	s7 =	sld [smem:$0x3F9C]  }
0x1a: {  	s8 =	sadd.s32 $0xFFFFE003, lr  }
0x1b: {  	s9 =	sadd.s32 $0xFFFFFEF7, lr;
	s5 =	simm.s32 $0xFFFFFFFF;
	p2 =	slt.u32 s8, $0xFFFFF086  }
0x1c: {  	p1 =	slt.u32 s9, $0xF7A;
	s5 =	simm.s32 @!p2 $0x0  }
0x1d: {  	s5 =	simm.s32 @p1 $0x1;
	p0 =	seq.s32 s7, s2  }
0x1e: {  	s7 =	smul.u32 @!p0 $0xF7A, s2;
	p2 =	seq.s32 @!p0 s5, $0x0  }
0x1f: {  	s9 =	smul.u32 $0xF7A, s1;
	s8 =	simm.s32 @!p0 $0x1BF5;
	p2 =	por !p2, p0  }
0x20: {  	[sflag:s8] =	ssyncset.s32 @!p0 $0xFFFFF086;
	s6 =	sadd.s32 @!p0 s3, s7;
	s7 =	simm.s32 @!p0 $0x108  }
0x21: {  	s3 =	sadd.s32 s3, s9;
	s6 =	sadd.s32 @!p0 $0x88, s6;
	s7 =	simm.s32 @p2 $0x1082  }
0x22: {  	[simem:s7], [sflag:s8] =	dma.local @!p0 [hbm:s6], $0xF7A  }
0x23: {  	s9 =	sor.u32 $0xD0000000, s2;
	s6 =	simm.s32 $0x108;
	_ =	swait.ge @!p0 [sflag:s8], $0x0  }
0x24: {  	s3 =	sadd.s32 $0x88, s3;
	s6 =	simm.s32 @!p1 $0x1082;
	[sflag:s4] =	ssyncset.s32 $0xFFFFF086  }
0x25: {  	[simem:s6], [sflag:s4] =	dma.local [hbm:s3], $0xF7A  }
0x26: {  	[smem:$0x3F9C] =	sst s1;
	(tag) =	ssettag s2;
	_ =	strace s9  }
0x27: {  	s1 =	sld [smem:$0x3FAC]  }
0x28: {  	s2 =	sld [smem:$0x3FAD]  }
0x29: {  	s4 =	sld [smem:$0x3FAF]  }
0x2a: {  	p0 =	seq.s32 s5, $0x0;
	s5 =	sld [smem:$0x3FB0]  }
0x2b: {  	s6 =	sld [smem:$0x3FB1]  }
0x2c: {  	s7 =	sld [smem:$0x3FB2]  }
0x2d: {  	s3 =	simm.s32 $0x108;
	s8 =	sld [smem:$0x3FB3]  }
0x2e: {  	s3 =	simm.s32 @!p0 $0x1082;
	s9 =	sld [smem:$0x3FB4]  }
0x2f: {  	lr =	sadd.s32 s0, s3;
	s0 =	sld [smem:$0x3FAB]  }
0x30: {  	s3 =	sld [smem:$0x3FAE]  }
0x31: {  	[smem:$0x3FB7] =	sst s10  }
0x32: {  	s10 =	sld [smem:$0x3FB5];
	_ =	sdelay $0x3  }
0x33: {  	p0 =	seq.s32 s10, $0x1;
	s10 =	sld [smem:$0x3FB7];
	_ =	sdelay $0x3  }
0x34: {  	[smem:$0x3FB7] =	sst s10  }
0x35: {  	s10 =	sld [smem:$0x3FB6];
	_ =	sdelay $0x3  }
0x36: {  	p1 =	seq.s32 s10, $0x1;
	s10 =	sld [smem:$0x3FB7];
	_ =	sdelay $0x3  }
0x37: {  	[smem:$0x3FB7] =	sst s10  }
0x38: {  	s10 =	sld [smem:$0x3FB8]  }
0x39: {  	_ = 	snop;
	(pc) =	sbr.ind lr, $3  }
0x3a: {  	_ = 	snop  }
0x3b: {  	_ = 	snop  }
0x3c: {  	p2 =	seq.s32 s10, $0x1;
	s10 =	sld [smem:$0x3FB7]  }
0x3d: {  	_ =	shalt  }
0x3e: {  	_ =	shalt  }
0x3f: {  	_ =	shalt  }
0x40: {  	_ =	shalt  }
0x41: {  	_ =	shalt  }
0x42: {  	_ =	shalt  }
0x43: {  	_ =	shalt  }
0x44: {  	_ =	shalt  }
0x45: {  	_ =	shalt  }
0x46: {  	_ =	shalt  }
0x47: {  	_ =	shalt  }
0x48: {  	_ =	shalt  }
0x49: {  	_ =	shalt  }
0x4a: {  	_ =	shalt  }
0x4b: {  	_ =	shalt  }
0x4c: {  	_ =	shalt  }
0x4d: {  	_ =	shalt  }
0x4e: {  	_ =	shalt  }
0x4f: {  	_ =	shalt  }
0x50: {  	_ =	shalt  }
0x51: {  	_ =	shalt  }
0x52: {  	_ =	shalt  }
0x53: {  	_ =	shalt  }
0x54: {  	_ =	shalt  }
0x55: {  	_ =	shalt  }
0x56: {  	_ =	shalt  }
0x57: {  	_ =	shalt  }
0x58: {  	_ =	shalt  }
0x59: {  	_ =	shalt  }
0x5a: {  	_ =	shalt  }
0x5b: {  	_ =	shalt  }
0x5c: {  	_ =	shalt  }
0x5d: {  	_ =	shalt  }
0x5e: {  	_ =	shalt  }
0x5f: {  	_ =	shalt  }
0x60: {  	_ =	shalt  }
0x61: {  	_ =	shalt  }
0x62: {  	_ =	shalt  }
0x63: {  	_ =	shalt  }
0x64: {  	_ =	shalt  }
0x65: {  	_ =	shalt  }
0x66: {  	_ =	shalt  }
0x67: {  	_ =	shalt  }
0x68: {  	_ =	shalt  }
0x69: {  	_ =	shalt  }
0x6a: {  	_ =	shalt  }
0x6b: {  	_ =	shalt  }
0x6c: {  	_ =	shalt  }
0x6d: {  	_ =	shalt  }
0x6e: {  	_ =	shalt  }
0x6f: {  	_ =	shalt  }
0x70: {  	_ =	shalt  }
0x71: {  	_ =	shalt  }
0x72: {  	_ =	shalt  }
0x73: {  	_ =	shalt  }
0x74: {  	_ =	shalt  }
0x75: {  	_ =	shalt  }
0x76: {  	_ =	shalt  }
0x77: {  	_ =	shalt  }
0x78: {  	_ =	shalt  }
0x79: {  	_ =	shalt  }
0x7a: {  	_ =	shalt  }
0x7b: {  	_ =	shalt  }
0x7c: {  	_ =	shalt  }
0x7d: {  	_ =	shalt  }
0x7e: {  	_ =	shalt  }
0x7f: {  	_ =	shalt  }
0x80: {  	_ =	shalt  }
0x81: {  	_ =	shalt  }
0x82: {  	_ =	shalt  }
0x83: {  	_ =	shalt  }
0x84: {  	_ =	shalt  }
0x85: {  	_ =	shalt  }
0x86: {  	_ =	shalt  }
0x87: {  	_ =	shalt  }
.Lfunc_end0:
.L_simem_size_0:
called_computation_lowered:
.L_overlay_start_0:
0x88: {  	s2 =	sld [smem:$0x3FD9]  }
0x89: {  	s3 =	sld [smem:$0x3FFE];
	_ =	sdelay $0x1  }
0x8a: {  	s1 =	srdreg.scid  }
0x8b: {  	s0 =	sand.u32 $0x1, s1  }
0x8c: {  	s14 =	sshll.u32 s0, $0xA;
	s2 =	sadd.s32 s3, s2  }
0x8d: {  	s2 =	sadd.s32 s2, s14  }
0x8e: {  	[smem:$0x3FC3] =	sst s2  }
0x8f: {  	_ = 	snop  }
0x90: {  	s2 =	sld [smem:$0x3FD0];
	_ =	sdelay $0x2  }
0x91: {  	s15 =	simm.s32 $0xA;
	s4 =	simm.s32 $0x10  }
0x92: {  	[smem:s4], [sflag:s15] =	dma.local [hbm:s2], $0x1  }
0x93: {  	_ =	swait.eq [sflag:s15], $0x1  }
0x94: {  	[sflag:s15] =	ssyncset.done $0x0  }
0x95: {  	s16 =	sld [smem:$0x10];
	[sflag:s15] =	ssyncadd.s32 $0xFFFFFFFF  }
0x96: {  	s17 =	sld [smem:$0x11];
	(tm) =	ssettm $0x1  }
0x97: {  	s18 =	sld [smem:$0x3FFB];
	_ =	sdelay $0x3  }
0x98: {  	_ =	strace s18  }
0x99: {  	s4 =	sld [smem:$0x3FFC];
	_ =	sdelay $0x3  }
0x9a: {  	_ =	strace s4  }
0x9b: {  	s4 =	sld [smem:$0x3FFD];
	_ =	sdelay $0x3  }
0x9c: {  	_ =	strace s4  }
0x9d: {  	_ =	strace $0x8FFFFFFF  }
0x9e: {  	s19 =	sld [smem:$0x3FDB];
	_ =	sdelay $0x1  }
0x9f: {  	s5 =	simm.s32 $_scs_section_size  }
0xa0: {  	s6 =	simm.s32 $_size__tile_overlayer_lowered;
	s7 =	simm.s32 $_tile_overlayer_lowered  }
0xa1: {  	s22 =	simm.s32 $0x1BFF;
	s21 =	sshll.u32 s7, $0x1;
	s4 =	sadd.s32 s5, s19  }
0xa2: {  	s8 =	simm.s32 $0x0;
	s20 =	sshll.u32 s6, $0x1;
	s6 =	sadd.s32 s21, s4  }
0xa3: {  	[timem:s8], [sflag:s22] =	dma.local [hbm:s6], s20  }
0xa4: {  	_ =	swait.ge [sflag:s22], s20  }
0xa5: {  	s5 =	ssub.s32 $0x0, s20;
	[sflag:s22] =	ssyncset.done $0x0  }
0xa6: {  	[sflag:s22] =	ssyncadd.s32 s5;
	_ =	sdelay $0x1  }
0xa7: {  	s23 =	simm.s32 $0x1B8B  }
0xa8: {  	_ =	swait.ge [sflag:s23], $0x1  }
0xa9: {  	[sflag:s23] =	ssyncset.done $0x0  }
0xaa: {  	s25 =	simm.s32 $0x1B8E;
	s24 =	sld [smem:$0x3FFE];
	[sflag:s23] =	ssyncadd.s32 $0xFFFFFFFF  }
0xab: {  	s26 =	simm.s32 $execute0_lowered;
	[smem:$0x3FD2] =	sst s25  }
0xac: {  	s6 =	sshll.u32 s26, $0x1;
	_ =	strace $0x80000046;
	[dreg:$0x1] =	wrdreg $0xFFFFFFFF  }
0xad: {  	s28 =	simm.s32 $_size_execute0_lowered;
	s4 =	sadd.s32 s4, s6;
	[dreg:$0x0] =	wrdreg $0x0  }
0xae: {  	s6 =	sshll.u32 s28, $0x1;
	[dreg:$0x2] =	wrdreg s4  }
0xaf: {  	[dreg:$0x3] =	wrdreg s6  }
0xb0: {  	[dreg:$0x4] =	wrdreg $0xC0  }
0xb1: {  	_ =	task [dreg:s8], $0x5FFFF  }
0xb2: {  	[dreg:$0x1] =	wrdreg $0xFFFFFFFF  }
0xb3: {  	[dreg:$0x0] =	wrdreg $0x60  }
0xb4: {  	[dreg:$0x2] =	wrdreg s16  }
0xb5: {  	[dreg:$0x3] =	wrdreg s17  }
0xb6: {  	[dreg:$0x4] =	wrdreg s24  }
0xb7: {  	[dreg:$0x5] =	wrdreg $0x9  }
0xb8: {  	_ =	task.clear_ibuf [dreg:s8], $0x6FFFF;
	_ =	strace $0x90000046  }
0xb9: {  	s29 =	simm.s32 $0x9;
	_ =	strace $0x80000048  }
0xba: {  	_ =	swait.ge [sflag:s29], $0x1  }
0xbb: {  	[sflag:s29] =	ssyncadd.s32 $0xFFFFFFFF  }
0xbc: {  	_ =	strace $0x90000048  }
0xbd: {  	_ =	sfence  }
0xbe: {  	s30 =	sld [smem:$0x0];
	_ =	sdelay $0x2  }
0xbf: {  	s31 =	sshll.u32 s1, $0xD;
	s1 =	sshrl.u32 s1, $0x2  }
0xc0: {  	s3 =	sand.u32 $0x4000, s31;
	s1 =	sadd.s32 s1, s30  }
0xc1: {  	s0 =	sor.u32 s3, s0;
	s1 =	sshll.u32 s1, $0x11  }
0xc2: {  	s0 =	sor.u32 s1, s0  }
0xc3: {  	s0 =	sadd.s32 $0x8F2B, s0  }
0xc4: {  	[sflag:s0] =	ssyncadd.remote.s32 $0x1  }
0xc5: {  	_ =	sfence.sel $0xFFFF  }
0xc6: {  	[dreg:$0x0] =	wrdreg $0xFFFFFFFF;
	(pc) =	sbr.abs _section_cstart, $3  }
0xc7: {  	[dreg:$0x1] =	wrdreg $0xFFFFFFFF  }
0xc8: {  	_ =	task.clear_ibuf [dreg:s8], $0x2FFFF;
	_ =	strace $0x9FFFFFFF  }
0xc9: {  	(tm) =	ssettm $0x7FFFFFFF  }
tec
execute0_lowered:
.L_overlay_start_1:
0x0: {  	(tag) =	ssettag $0x1  }
0x1: {  	s6 =	rddreg [dreg:$0x0]  }
0x2: {  	s3 =	rddreg [dreg:$0x1]  }
0x3: {  	s4 =	rddreg [dreg:$0x2];
	s1 =	simm.s32 $0x0  }
0x4: {  	[smem:$0x7FF] =	sst s1  }
0x5: {  	s0 =	rddreg [dreg:$0x3];
	v0 =	vlaneseq.u32;
	_ =	strace $0x80000047  }
0x6: {  	(xrf1) =	vunique.msk.u32 $0xffff, v0;
	_ =	sdelay $0x7  }
0x7: {  	s2 =	stileid.u32  }
0x8: {  	p0 =	sgt.u32 s2, $0x7  }
.Ltmp0:
0x9: {  	_ = 	snop;
	(pc) =	sbr.rel @p0 .LBB2_7-.Ltmp0, $2  }
0xa: {  	_ =	sdelay $0x2  }
0xb: {  	_, v0, _ =	vpop (xrf1)  }
0xc: {  	s5 =	srdreg.scid;
	s7 =	sshll.u32 s2, $0x8;
	s8 =	sshrl.u32 s2, $0x2  }
0xd: {  	s12 =	simm.s32 $0x2000;
	s13 =	simm.s32 $0xA000;
	s14 =	simm.s32 $0x4000  }
0xe: {  	s15 =	simm.s32 $0x6000;
	s16 =	simm.s32 $0x8000;
	s17 =	simm.s32 $0x0  }
0xf: {  	s5 =	sand.u32 $0x1, s5;
	s7 =	sand.u32 $0x300, s7;
	s10 =	sshll.u32 s8, $0x10  }
0x10: {  	s29 =	sshll.u32 s8, $0xA;
	s8 =	sshll.u32 s8, $0x4;
	s9 =	sshll.u32 s5, $0x7  }
0x11: {  	s11 =	ssub.s32 $0x2, s5;
	s6 =	sadd.s32 s6, s8;
	s7 =	sor.u32 s9, s7  }
0x12: {  	s8 =	simm.s32 $0x80;
	s31 =	sshrl.u32 s11, $0x1;
	s9 =	sor.u32 s10, s7  }
0x13: {  	s7 =	sor.u32 s29, s7;
	s10 =	simm.s32 $0x1;
	s9 =	sshrl.u32 s9, $0x3  }
0x14: {  	s7 =	sshrl.u32 s7, $0x3;
	s30 =	sadd.s32 s9, s4;
	s3 =	sadd.s32 s3, s9  }
0x15: {  	s4 =	sadd.s32 s4, s7;
	s7 =	ssub.s32 s11, s31;
	s9 =	simm.s32 $0x100  }
0x16: {  	s11 =	simm.s32 $0x400;
	s5 =	sadd.s32 $0x200, s30;
	s7 =	smax.u32 s7, $0x1  }
.LBB2_2:
0x17: {  	[tilespmem:s1], [sflag:$0x1] =	stream.strided.gather [hbm4b:s6+s8], $0x2000, s9, s8, $0x38;
	[tilespmem:$0xA080] =	vst v63  }
0x18: {  	_ =	swait.ge [sflag:s10], $0x2000  }
0x19: {  	[sflag:s10] =	ssyncset.done $0x0  }
0x1a: {  	[sflag:s10] =	ssyncadd.s32 $0xFFFFE000  }
0x1b: {  	[tilespmem:s12], [sflag:$0x1] =	stream.strided.gather [hbm4b:s3+s8], $0x2000, s11, s8, $0x38;
	[tilespmem:$0xA080] =	vst v63  }
0x1c: {  	_ =	swait.ge [sflag:s10], $0x2000  }
0x1d: {  	[sflag:s10] =	ssyncset.done $0x0  }
0x1e: {  	[sflag:s10] =	ssyncadd.s32 $0xFFFFE000  }
0x1f: {  	[tilespmem:s13], [sflag:$0x1] =	stream.linear.gather [hbm4b:s4+s1], $0x80, $0x38;
	[tilespmem:$0xA080] =	vst v63  }
0x20: {  	_ =	swait.ge [sflag:s10], $0x80  }
0x21: {  	s18 =	simm.s32 $0xFFFFFFFC;
	s21 =	simm.s32 $0x2020;
	[sflag:s10] =	ssyncset.done $0x0  }
0x22: {  	s22 =	simm.s32 $0x20;
	s23 =	simm.s32 $0xFFFFFFFC;
	[sflag:s10] =	ssyncadd.s32 $0xFFFFFF80  }
.LBB2_3:
0x23: {  	v1 =	vld [tilespmem:s22+$0xFFFFFFE0];
	_ =	sdelay $0x2  }
0x24: {  	v2 =	vld [tilespmem:s21+$0xFFFFFFE0];
	_ =	sdelay $0x4  }
0x25: {  	[tilespmem:v1+s14+$0x0] =	vst.idx.msk $0xffff, v2  }
0x26: {  	v1 =	vld [tilespmem:s22+$0xFFFFFFF0];
	_ =	sdelay $0x2  }
0x27: {  	v2 =	vld [tilespmem:s21+$0xFFFFFFF0];
	_ =	sdelay $0x4  }
0x28: {  	[tilespmem:v1+s14+$0x0] =	vst.idx.msk $0xffff, v2  }
0x29: {  	v1 =	vld [tilespmem:s22+$0x0];
	_ =	sdelay $0x2  }
0x2a: {  	v2 =	vld [tilespmem:s21+$0x0];
	_ =	sdelay $0x4  }
0x2b: {  	[tilespmem:v1+s14+$0x0] =	vst.idx.msk $0xffff, v2  }
0x2c: {  	v1 =	vld [tilespmem:s22+$0x10];
	_ =	sdelay $0x1  }
0x2d: {  	s23 =	sadd.s32 $0x4, s23  }
0x2e: {  	p0 =	slt.u32 s23, $0x1FC;
	v2 =	vld [tilespmem:s21+$0x10]  }
.Ltmp1:
0x2f: {  	_ = 	snop;
	(pc) =	sbr.rel @p0 .LBB2_3-.Ltmp1, $3  }
0x30: {  	_ =	sdelay $0x1  }
0x31: {  	s19 =	simm.s32 $0x6020  }
0x32: {  	s20 =	simm.s32 $0x4020;
	s21 =	sadd.s32 $0x40, s21;
	s22 =	sadd.s32 $0x40, s22;
	[tilespmem:v1+s14+$0x0] =	vst.idx.msk $0xffff, v2  }
.LBB2_4:
0x33: {  	v1 =	vld [tilespmem:s20+$0xFFFFFFE0];
	_ =	sdelay $0x4  }
0x34: {  	(xrf1) =	vunique.msk.u32 $0xffff, v1;
	_ =	sdelay $0xc  }
0x35: {  	v2 =	vld.idx.msk [tilespmem:v1+s13+$0x0], $0xffff  }
0x36: {  	_, v3, vm0 =	vpop (xrf1);
	_ =	sdelay $0x2  }
0x37: {  	v3 =	vsub.s32 v3, v0  }
0x38: {  	v2 =	vadd.s32 v2, v3  }
0x39: {  	[tilespmem:s19+$0xFFFFFFE0] =	vst v2;
	v2 =	vadd.s32 $0x1, v2  }
0x3a: {  	[tilespmem:v1+s13+$0x0] =	vst.idx.msk vm0, v2  }
0x3b: {  	v1 =	vld [tilespmem:s20+$0xFFFFFFF0];
	_ =	sdelay $0x4  }
0x3c: {  	(xrf1) =	vunique.msk.u32 $0xffff, v1;
	_ =	sdelay $0xc  }
0x3d: {  	v2 =	vld.idx.msk [tilespmem:v1+s13+$0x0], $0xffff  }
0x3e: {  	_, v3, vm13 =	vpop (xrf1);
	_ =	sdelay $0x2  }
0x3f: {  	v3 =	vsub.s32 v3, v0  }
0x40: {  	v2 =	vadd.s32 v2, v3  }
0x41: {  	[tilespmem:s19+$0xFFFFFFF0] =	vst v2;
	v2 =	vadd.s32 $0x1, v2  }
0x42: {  	[tilespmem:v1+s13+$0x0] =	vst.idx.msk vm13, v2  }
0x43: {  	v1 =	vld [tilespmem:s20+$0x0];
	_ =	sdelay $0x4  }
0x44: {  	(xrf1) =	vunique.msk.u32 $0xffff, v1;
	_ =	sdelay $0xc  }
0x45: {  	v2 =	vld.idx.msk [tilespmem:v1+s13+$0x0], $0xffff  }
0x46: {  	_, v3, vm14 =	vpop (xrf1);
	_ =	sdelay $0x2  }
0x47: {  	v3 =	vsub.s32 v3, v0  }
0x48: {  	v2 =	vadd.s32 v2, v3  }
0x49: {  	[tilespmem:s19+$0x0] =	vst v2;
	v2 =	vadd.s32 $0x1, v2  }
0x4a: {  	[tilespmem:v1+s13+$0x0] =	vst.idx.msk vm14, v2  }
0x4b: {  	v1 =	vld [tilespmem:s20+$0x10];
	_ =	sdelay $0x4  }
0x4c: {  	(xrf1) =	vunique.msk.u32 $0xffff, v1;
	_ =	sdelay $0xc  }
0x4d: {  	v2 =	vld.idx.msk [tilespmem:v1+s13+$0x0], $0xffff  }
0x4e: {  	s18 =	sadd.s32 $0x4, s18;
	_, v3, vm15 =	vpop (xrf1)  }
0x4f: {  	p0 =	slt.u32 s18, $0x1FC  }
.Ltmp2:
0x50: {  	_ = 	snop;
	(pc) =	sbr.rel @p0 .LBB2_4-.Ltmp2, $4  }
0x51: {  	v3 =	vsub.s32 v3, v0  }
0x52: {  	v2 =	vadd.s32 v2, v3  }
0x53: {  	s21 =	simm.s32 $0xFFFFFFFC;
	s22 =	simm.s32 $0x8020;
	[tilespmem:s19+$0x10] =	vst v2;
	v2 =	vadd.s32 $0x1, v2  }
0x54: {  	s23 =	simm.s32 $0x20;
	s20 =	sadd.s32 $0x40, s20;
	s19 =	sadd.s32 $0x40, s19;
	[tilespmem:v1+s13+$0x0] =	vst.idx.msk vm15, v2  }
.LBB2_5:
0x55: {  	v1 =	vld [tilespmem:s23+$0xFFFFFFE0];
	_ =	sdelay $0x7  }
0x56: {  	v1 =	vld.idx.msk [tilespmem:v1+s15+$0x0], $0xffff;
	_ =	sdelay $0x4  }
0x57: {  	[tilespmem:s22+$0xFFFFFFE0] =	vst v1  }
0x58: {  	v1 =	vld [tilespmem:s23+$0xFFFFFFF0];
	_ =	sdelay $0x7  }
0x59: {  	v1 =	vld.idx.msk [tilespmem:v1+s15+$0x0], $0xffff;
	_ =	sdelay $0x4  }
0x5a: {  	[tilespmem:s22+$0xFFFFFFF0] =	vst v1  }
0x5b: {  	v1 =	vld [tilespmem:s23+$0x0];
	_ =	sdelay $0x7  }
0x5c: {  	v1 =	vld.idx.msk [tilespmem:v1+s15+$0x0], $0xffff;
	_ =	sdelay $0x4  }
0x5d: {  	[tilespmem:s22+$0x0] =	vst v1  }
0x5e: {  	v1 =	vld [tilespmem:s23+$0x10];
	_ =	sdelay $0x6  }
0x5f: {  	s21 =	sadd.s32 $0x4, s21  }
0x60: {  	p0 =	slt.u32 s21, $0x1FC;
	v1 =	vld.idx.msk [tilespmem:v1+s15+$0x0], $0xffff  }
.Ltmp3:
0x61: {  	_ = 	snop;
	(pc) =	sbr.rel @p0 .LBB2_5-.Ltmp3, $2  }
0x62: {  	_ =	sdelay $0x2  }
0x63: {  	s23 =	sadd.s32 $0x40, s23;
	[tilespmem:s22+$0x10] =	vst v1;
	s22 =	sadd.s32 $0x40, s22  }
0x64: {  	s17 =	sadd.s32 $0x1, s17  }
0x65: {  	p0 =	sne.s32 s17, s7  }
.Ltmp4:
0x66: {  	_ = 	snop;
	(pc) =	sbr.rel @p0 .LBB2_2-.Ltmp4, $4  }
0x67: {  	[hbm4b:s5+s8] =	stream.strided.scatter [tilespmem:s16], [sflag:$0x1], $0x2000, s11, s8, $0x38;
	[tilespmem:$0xA080] =	vst v63  }
0x68: {  	_ =	swait.ge [sflag:s10], $0x2000  }
0x69: {  	[sflag:s10] =	ssyncset.done $0x0  }
0x6a: {  	[sflag:s10] =	ssyncadd.s32 $0xFFFFE000  }
.LBB2_7:
0x6b: {  	_ =	sfence.sel $0x180000  }
0x6c: {  	[bflag:$0x0] =	sbarrier.arrive $0xFFFF  }
0x6d: {  	p0 =	sne.s32 s2, $0x0;
	_ =	strace $0x90000047  }
0x6e: {  	s0 =	sadd.s32 @!p0 $0x100000, s0;
	[bflag:$0x2] =	sbarrier.arrive $0xFFFF  }
0x6f: {  	[sflag:s0] =	ssyncadd.tile.s32 @!p0 $0x1;
	_ =	shalt  }
.Lfunc_end2:
_tile_overlayer_lowered:
.L_overlay_start_2:
0x70: {  	(tag) =	ssettag $0x2  }
0x71: {  	s0 =	rddreg [dreg:$0x0];
	s2 =	stileid.u32  }
0x72: {  	s1 =	rddreg [dreg:$0x1];
	p0 =	sne.s32 s2, $0x0  }
0x73: {  	s3 =	rddreg [dreg:$0x2];
	[bflag:$0x3] =	sbarrier.arrive $0xFFFF;
	s2 =	simm.s32 @!p0 $0x1C01  }
0x74: {  	[timem:s3], [sflag:s2] =	dma.local @!p0 [hbm:s0], s1  }
0x75: {  	s0 =	simm.s32 @!p0 $0x1  }
0x76: {  	_ =	swait.ge @!p0 [sflag:s0], s1  }
0x77: {  	s1 =	ssub.s32 @!p0 $0x0, s1;
	[sflag:s0] =	ssyncset.done @!p0 $0x0  }
0x78: {  	[sflag:s0] =	ssyncadd.s32 @!p0 s1  }
0x79: {  	[bflag:$0x3] =	sbarrier.arrive $0xFFFF  }
0x7a: {  	_ =	shalt  }

</sc_bundles>
